<compile_context>
chip_gen: v7x
topology: tpu7x:2x2x1
jax: 0.10.2.dev20260603
libtpu: 0.0.44.dev20260713+nightly
codegen_flags: <defaults>
</compile_context>

<pallas_src>
import jax
import jax.numpy as jnp
from jax import lax
from jax.experimental import pallas as pl
from jax.experimental.pallas import tpu as pltpu
from jax.experimental.pallas import tpu_sc as plsc

B, H, W = 4, 224, 224
C = 128
NROW = 224
L = 16
NPOS = H * W
NPB = 8
P = NPOS // NPB
N = 64
NCH = P // N


def _body(i_hbm, j_hbm, ti_hbm, tj_hbm, out_hbm,
          ti_v, tj_v, idx_i, idx_j, outbuf, sem0, sem1):
    info = plsc.get_sparse_core_info()
    nc, ns = info.num_cores, info.num_subcores

    wid = lax.axis_index("s") * nc + lax.axis_index("c")
    b = wid // NPB
    p0 = (wid % NPB) * P

    pltpu.sync_copy(ti_hbm, ti_v)
    pltpu.sync_copy(tj_hbm, tj_v)
    pltpu.sync_copy(i_hbm.at[pl.ds(b * NPOS + p0, P)], idx_i)
    pltpu.sync_copy(j_hbm.at[pl.ds(b * NPOS + p0, P)], idx_j)

    sems = (sem0, sem1)
    lane = lax.broadcasted_iota(jnp.int32, (L,), 0)
    cvecs = [cb * L + lane for cb in range(C // L)]

    def fill_slab(ck, buf):
        @plsc.parallel_loop(0, N, 1, unroll=4)
        def pos_loop(p):
            pv = lane * 0 + (ck * N + p)
            bi = plsc.load_gather(idx_i, [pv]) * C
            bj = plsc.load_gather(idx_j, [pv]) * C
            for cb in range(C // L):
                v = plsc.load_gather(ti_v, [bi + cvecs[cb]])
                outbuf[buf, p, pl.ds(cb * L, L)] = v
                w = plsc.load_gather(tj_v, [bj + cvecs[cb]])
                outbuf[buf, p, pl.ds(C + cb * L, L)] = w

    def out_dma(ck, buf, sem):
        return pltpu.make_async_copy(
            outbuf.at[buf],
            out_hbm.at[b, pl.ds(p0 + ck * N, N), :],
            sem,
        )

    def ck_pair(s, _):
        for k in range(2):
            ck = 2 * s + k

            @pl.when(s >= 1)
            def _():
                out_dma(0, k, sems[k]).wait()

            fill_slab(ck, k)
            out_dma(ck, k, sems[k]).start()
        return 0

    lax.fori_loop(0, NCH // 2, ck_pair, 0)

    out_dma(0, 0, sem0).wait()
    out_dma(0, 1, sem1).wait()


@jax.jit
def _position_embedding_sc(i, j, table_i, table_j):
    mesh = plsc.VectorSubcoreMesh(core_axis_name="c", subcore_axis_name="s")
    fn = pl.kernel(
        _body,
        out_type=jax.ShapeDtypeStruct((B, NPOS, 2 * C), jnp.float32),
        mesh=mesh,
        scratch_types=[
            pltpu.VMEM((NROW * C,), jnp.float32),
            pltpu.VMEM((NROW * C,), jnp.float32),
            pltpu.VMEM((P,), jnp.int32),
            pltpu.VMEM((P,), jnp.int32),
            pltpu.VMEM((2, N, 2 * C), jnp.float32),
            pltpu.SemaphoreType.DMA,
            pltpu.SemaphoreType.DMA,
        ],
        compiler_params=pltpu.CompilerParams(needs_layout_passes=False),
    )
    outp = fn(i.reshape(-1), j.reshape(-1),
              table_i.reshape(-1), table_j.reshape(-1))
    return jnp.transpose(outp.reshape(B, H, W, 2 * C), (0, 3, 1, 2))


def kernel(i, j, table_i, table_j):
    return _position_embedding_sc(i, j, table_i, table_j)

# --- scband reference (transcript-rebuilt; emitter-appended) ---
"""Pipeline reference for scband-position-embedding-11948599017628 (READ-ONLY COPY).

The authoritative reference and input builder live on the scoring server;
editing this copy changes nothing except your own understanding.
"""

import jax, jax.numpy as jnp
import numpy as np


def _build_embedding(max_steps):
    steps = jnp.arange(max_steps, dtype=jnp.float32)[:, None]
    dims = jnp.arange(64, dtype=jnp.float32)[None, :]
    table = steps * 10.0 ** (dims * 4.0 / 63.0)
    return jnp.concatenate([jnp.sin(table), jnp.cos(table)], axis=1)  # [max_steps, 128]


def setup_inputs(seed: int = 0) -> dict:
    key = jax.random.key(seed)
    k1, k2 = jax.random.split(key)
    B, H, W = 4, 224, 224
    max_height, max_width = 224, 224
    i = jax.random.randint(k1, (B, H, W), 0, max_height, dtype=jnp.int64 if jax.config.jax_enable_x64 else jnp.int32)
    j = jax.random.randint(k2, (B, H, W), 0, max_width, dtype=jnp.int64 if jax.config.jax_enable_x64 else jnp.int32)
    table_i = _build_embedding(max_height)
    table_j = _build_embedding(max_width)
    return {"i": i, "j": j, "table_i": table_i, "table_j": table_j}


def reference(i, j, table_i, table_j):
    # integer indices -> plain gather path (table[t])
    emb_i = jnp.take(table_i, i, axis=0)  # [B, H, W, 128]
    emb_j = jnp.take(table_j, j, axis=0)  # [B, H, W, 128]
    emb_i = jnp.transpose(emb_i, (0, 3, 1, 2))  # [B, 128, H, W]
    emb_j = jnp.transpose(emb_j, (0, 3, 1, 2))  # [B, 128, H, W]
    x = jnp.concatenate([emb_i, emb_j], axis=1)  # [B, 256, H, W]
    return x

if __name__ == "__main__":
    import jax
    _d = setup_inputs()
    print(jax.jit(kernel)(*tuple(_d.values())))

</pallas_src>

<mosaic_0001>
#map = affine_map<(d0, d1) -> (0)>
#map1 = affine_map<(d0, d1) -> (0, 0, 0)>
module attributes {stable_mosaic.version = 14 : i64} {
  func.func @_body(%arg0: i32, %arg1: i32, %arg2: memref<200704xi32, #tpu.memory_space<hbm>>, %arg3: memref<200704xi32, #tpu.memory_space<hbm>>, %arg4: memref<28672xf32, #tpu.memory_space<hbm>>, %arg5: memref<28672xf32, #tpu.memory_space<hbm>>, %arg6: memref<4x50176x256xf32, #tpu.memory_space<hbm>>, %arg7: memref<28672xf32, #tpu.memory_space<vmem>>, %arg8: memref<28672xf32, #tpu.memory_space<vmem>>, %arg9: memref<6272xi32, #tpu.memory_space<vmem>>, %arg10: memref<6272xi32, #tpu.memory_space<vmem>>, %arg11: memref<2x64x256xf32, #tpu.memory_space<vmem>>, %arg12: memref<!tpu.dma_semaphore, #tpu.memory_space<semaphore_mem>>, %arg13: memref<!tpu.dma_semaphore, #tpu.memory_space<semaphore_mem>>) attributes {dimension_semantics = [#tpu.dimension_semantics<core_parallel>, #tpu.dimension_semantics<subcore_parallel>], iteration_bounds = array<i64: 2, 16>, scalar_prefetch = 0 : i64, scratch_operands = 7 : i64, tpu.core_type = #tpu.core_type<sc_vector_subcore>, window_params = [{transform_indices = #map}, {transform_indices = #map}, {transform_indices = #map}, {transform_indices = #map}, {transform_indices = #map1}]} {
    %mul3A = arith.constant 2 : i32
    %mul3A_0 = arith.muli %arg1, %mul3A : i32
    %add3A = arith.addi %mul3A_0, %arg0 : i32
    %jit3A = arith.constant 8 : i32
    %div3A = arith.divsi %add3A, %jit3A : i32
    %sign3A = arith.constant 0 : i32
    %sign3A_1 = arith.cmpi sgt, %add3A, %sign3A : i32
    %sign3A_2 = arith.extui %sign3A_1 : i1 to i32
    %sign3A_3 = arith.constant 0 : i32
    %sign3A_4 = arith.cmpi slt, %add3A, %sign3A_3 : i32
    %sign3A_5 = arith.extui %sign3A_4 : i1 to i32
    %sign3A_6 = arith.subi %sign3A_2, %sign3A_5 : i32
    %sign3A_7 = arith.constant 0 : i32
    %sign3A_8 = arith.cmpi sgt, %jit3A, %sign3A_7 : i32
    %sign3A_9 = arith.extui %sign3A_8 : i1 to i32
    %sign3A_10 = arith.constant 0 : i32
    %sign3A_11 = arith.cmpi slt, %jit3A, %sign3A_10 : i32
    %sign3A_12 = arith.extui %sign3A_11 : i1 to i32
    %sign3A_13 = arith.subi %sign3A_9, %sign3A_12 : i32
    %ne3A = arith.cmpi ne, %sign3A_6, %sign3A_13 : i32
    %rem3A = arith.remsi %add3A, %jit3A : i32
    %ne3A_14 = arith.constant 0 : i32
    %ne3A_15 = arith.cmpi ne, %rem3A, %ne3A_14 : i32
    %and3A = arith.andi %ne3A, %ne3A_15 : i1
    %sub3A = arith.constant 1 : i32
    %sub3A_16 = arith.subi %div3A, %sub3A : i32
    %select_n3A = arith.select %and3A, %sub3A_16, %div3A : i32
    %jit3A_17 = arith.constant 8 : i32
    %eq3A = arith.constant 0 : i32
    %eq3A_18 = arith.cmpi eq, %jit3A_17, %eq3A : i32
    %jit3A_19 = arith.constant 1 : i32
    %select_n3A_20 = arith.select %eq3A_18, %jit3A_19, %jit3A_17 : i32
    %rem3A_21 = arith.remsi %add3A, %select_n3A_20 : i32
    %ne3A_22 = arith.constant 0 : i32
    %ne3A_23 = arith.cmpi ne, %rem3A_21, %ne3A_22 : i32
    %lt3A = arith.constant 0 : i32
    %lt3A_24 = arith.cmpi slt, %rem3A_21, %lt3A : i32
    %lt3A_25 = arith.constant 0 : i32
    %lt3A_26 = arith.cmpi slt, %select_n3A_20, %lt3A_25 : i32
    %ne3A_27 = arith.xori %lt3A_24, %lt3A_26 : i1
    %and3A_28 = arith.andi %ne3A_27, %ne3A_23 : i1
    %add3A_29 = arith.addi %rem3A_21, %select_n3A_20 : i32
    %select_n3A_30 = arith.select %and3A_28, %add3A_29, %rem3A_21 : i32
    %mul3A_31 = arith.constant 6272 : i32
    %mul3A_32 = arith.muli %select_n3A_30, %mul3A_31 : i32
    "tpu.region"() ({
      %run_scoped3A = tpu.sem_alloc : memref<!tpu.dma_semaphore, #tpu.memory_space<semaphore_mem>>
      tpu.enqueue_dma source(%arg4 : memref<28672xf32, #tpu.memory_space<hbm>>) target(%arg7 : memref<28672xf32, #tpu.memory_space<vmem>>) target_semaphore(%run_scoped3A : memref<!tpu.dma_semaphore, #tpu.memory_space<semaphore_mem>>)
      tpu.wait_dma2 semaphore(%run_scoped3A : memref<!tpu.dma_semaphore, #tpu.memory_space<semaphore_mem>>) src(%arg4 : memref<28672xf32, #tpu.memory_space<hbm>>) dst(%arg7 : memref<28672xf32, #tpu.memory_space<vmem>>)
      tpu.yield
    }) : () -> ()
    "tpu.region"() ({
      %run_scoped3A = tpu.sem_alloc : memref<!tpu.dma_semaphore, #tpu.memory_space<semaphore_mem>>
      tpu.enqueue_dma source(%arg5 : memref<28672xf32, #tpu.memory_space<hbm>>) target(%arg8 : memref<28672xf32, #tpu.memory_space<vmem>>) target_semaphore(%run_scoped3A : memref<!tpu.dma_semaphore, #tpu.memory_space<semaphore_mem>>)
      tpu.wait_dma2 semaphore(%run_scoped3A : memref<!tpu.dma_semaphore, #tpu.memory_space<semaphore_mem>>) src(%arg5 : memref<28672xf32, #tpu.memory_space<hbm>>) dst(%arg8 : memref<28672xf32, #tpu.memory_space<vmem>>)
      tpu.yield
    }) : () -> ()
    %mul3A_33 = arith.constant 50176 : i32
    %mul3A_34 = arith.muli %select_n3A, %mul3A_33 : i32
    %add3A_35 = arith.addi %mul3A_34, %mul3A_32 : i32
    "tpu.region"() ({
      %run_scoped3A = tpu.sem_alloc : memref<!tpu.dma_semaphore, #tpu.memory_space<semaphore_mem>>
      %dma_start3A = tpu.memref_slice %arg2[%add3A_35] : memref<200704xi32, #tpu.memory_space<hbm>> -> memref<6272xi32, #tpu.memory_space<hbm>>
      %dma_start3A_102 = tpu.memref_slice %arg2[%add3A_35] : memref<200704xi32, #tpu.memory_space<hbm>> -> memref<6272xi32, #tpu.memory_space<hbm>>
      tpu.enqueue_dma source(%dma_start3A_102 : memref<6272xi32, #tpu.memory_space<hbm>>) target(%arg9 : memref<6272xi32, #tpu.memory_space<vmem>>) target_semaphore(%run_scoped3A : memref<!tpu.dma_semaphore, #tpu.memory_space<semaphore_mem>>)
      %dma_wait3A_103 = tpu.memref_slice %arg2[%add3A_35] : memref<200704xi32, #tpu.memory_space<hbm>> -> memref<6272xi32, #tpu.memory_space<hbm>>
      %dma_wait3A_104 = tpu.memref_slice %arg2[%add3A_35] : memref<200704xi32, #tpu.memory_space<hbm>> -> memref<6272xi32, #tpu.memory_space<hbm>>
      tpu.wait_dma2 semaphore(%run_scoped3A : memref<!tpu.dma_semaphore, #tpu.memory_space<semaphore_mem>>) src(%dma_wait3A_104 : memref<6272xi32, #tpu.memory_space<hbm>>) dst(%arg9 : memref<6272xi32, #tpu.memory_space<vmem>>)
      tpu.yield
    }) : () -> ()
    %mul3A_36 = arith.constant 50176 : i32
    %mul3A_37 = arith.muli %select_n3A, %mul3A_36 : i32
    %add3A_38 = arith.addi %mul3A_37, %mul3A_32 : i32
    "tpu.region"() ({
      %run_scoped3A = tpu.sem_alloc : memref<!tpu.dma_semaphore, #tpu.memory_space<semaphore_mem>>
      %dma_start3A = tpu.memref_slice %arg3[%add3A_38] : memref<200704xi32, #tpu.memory_space<hbm>> -> memref<6272xi32, #tpu.memory_space<hbm>>
      %dma_start3A_102 = tpu.memref_slice %arg3[%add3A_38] : memref<200704xi32, #tpu.memory_space<hbm>> -> memref<6272xi32, #tpu.memory_space<hbm>>
      tpu.enqueue_dma source(%dma_start3A_102 : memref<6272xi32, #tpu.memory_space<hbm>>) target(%arg10 : memref<6272xi32, #tpu.memory_space<vmem>>) target_semaphore(%run_scoped3A : memref<!tpu.dma_semaphore, #tpu.memory_space<semaphore_mem>>)
      %dma_wait3A_103 = tpu.memref_slice %arg3[%add3A_38] : memref<200704xi32, #tpu.memory_space<hbm>> -> memref<6272xi32, #tpu.memory_space<hbm>>
      %dma_wait3A_104 = tpu.memref_slice %arg3[%add3A_38] : memref<200704xi32, #tpu.memory_space<hbm>> -> memref<6272xi32, #tpu.memory_space<hbm>>
      tpu.wait_dma2 semaphore(%run_scoped3A : memref<!tpu.dma_semaphore, #tpu.memory_space<semaphore_mem>>) src(%dma_wait3A_104 : memref<6272xi32, #tpu.memory_space<hbm>>) dst(%arg10 : memref<6272xi32, #tpu.memory_space<vmem>>)
      tpu.yield
    }) : () -> ()
    %iota3A = tpu.iota {dimensions = array<i32: 0>} : vector<16xi32>
    %add3A_39 = arith.constant 0 : i32
    %add3A_40 = vector.broadcast %add3A_39 : i32 to vector<16xi32>
    %add3A_41 = arith.addi %add3A_40, %iota3A : vector<16xi32>
    %add3A_42 = arith.constant 16 : i32
    %add3A_43 = vector.broadcast %add3A_42 : i32 to vector<16xi32>
    %add3A_44 = arith.addi %add3A_43, %iota3A : vector<16xi32>
    %add3A_45 = arith.constant 32 : i32
    %add3A_46 = vector.broadcast %add3A_45 : i32 to vector<16xi32>
    %add3A_47 = arith.addi %add3A_46, %iota3A : vector<16xi32>
    %add3A_48 = arith.constant 48 : i32
    %add3A_49 = vector.broadcast %add3A_48 : i32 to vector<16xi32>
    %add3A_50 = arith.addi %add3A_49, %iota3A : vector<16xi32>
    %add3A_51 = arith.constant 64 : i32
    %add3A_52 = vector.broadcast %add3A_51 : i32 to vector<16xi32>
    %add3A_53 = arith.addi %add3A_52, %iota3A : vector<16xi32>
    %add3A_54 = arith.constant 80 : i32
    %add3A_55 = vector.broadcast %add3A_54 : i32 to vector<16xi32>
    %add3A_56 = arith.addi %add3A_55, %iota3A : vector<16xi32>
    %add3A_57 = arith.constant 96 : i32
    %add3A_58 = vector.broadcast %add3A_57 : i32 to vector<16xi32>
    %add3A_59 = arith.addi %add3A_58, %iota3A : vector<16xi32>
    %add3A_60 = arith.constant 112 : i32
    %add3A_61 = vector.broadcast %add3A_60 : i32 to vector<16xi32>
    %add3A_62 = arith.addi %add3A_61, %iota3A : vector<16xi32>
    %scan3A = arith.constant 0 : i32
    %scan3A_63 = arith.constant 0 : i32
    %scan3A_64 = arith.constant 49 : i32
    %scan3A_65 = arith.addi %scan3A_63, %scan3A_64 : i32
    %scan3A_66 = arith.constant 1 : i32
    %scan3A_67 = scf.for %scan3A_102 = %scan3A_63 to %scan3A_65 step %scan3A_66 iter_args(%scan3A_103 = %scan3A) -> (i32)  : i32 {
      %mul3A_104 = arith.constant 2 : i32
      %mul3A_105 = arith.muli %mul3A_104, %scan3A_102 : i32
      %add3A_106 = arith.constant 0 : i32
      %add3A_107 = arith.addi %mul3A_105, %add3A_106 : i32
      %ge3A = arith.constant 1 : i32
      %ge3A_108 = arith.cmpi sge, %scan3A_102, %ge3A : i32
      %convert_element_type3A = arith.extui %ge3A_108 : i1 to i32
      %cond3A = arith.constant 0 : i32
      %cond3A_109 = arith.cmpi ne, %convert_element_type3A, %cond3A : i32
      scf.if %cond3A_109 {
        %add3A_160 = arith.constant 0 : i32
        %add3A_161 = arith.addi %mul3A_32, %add3A_160 : i32
        %dma_wait3A_162 = arith.constant 0 : i32
        %dma_wait3A_163 = arith.constant 0 : i32
        %dma_wait3A_164 = arith.constant 0 : i32
        %dma_wait3A_165 = tpu.memref_slice %arg11[%dma_wait3A_162, %dma_wait3A_163, %dma_wait3A_164] : memref<2x64x256xf32, #tpu.memory_space<vmem>> -> memref<1x64x256xf32, #tpu.memory_space<vmem>>
        %dma_wait3A_166 = tpu.memref_squeeze %dma_wait3A_165 : memref<1x64x256xf32, #tpu.memory_space<vmem>> -> memref<64x256xf32, #tpu.memory_space<vmem>>
        %dma_wait3A_167 = arith.constant 0 : i32
        %dma_wait3A_168 = tpu.memref_slice %arg6[%select_n3A, %add3A_161, %dma_wait3A_167] : memref<4x50176x256xf32, #tpu.memory_space<hbm>> -> memref<1x64x256xf32, #tpu.memory_space<hbm>>
        %dma_wait3A_169 = tpu.memref_squeeze %dma_wait3A_168 : memref<1x64x256xf32, #tpu.memory_space<hbm>> -> memref<64x256xf32, #tpu.memory_space<hbm>>
        %dma_wait3A_170 = arith.constant 0 : i32
        %dma_wait3A_171 = tpu.memref_slice %arg6[%select_n3A, %add3A_161, %dma_wait3A_170] : memref<4x50176x256xf32, #tpu.memory_space<hbm>> -> memref<1x64x256xf32, #tpu.memory_space<hbm>>
        %dma_wait3A_172 = tpu.memref_squeeze %dma_wait3A_171 : memref<1x64x256xf32, #tpu.memory_space<hbm>> -> memref<64x256xf32, #tpu.memory_space<hbm>>
        %dma_wait3A_173 = arith.constant 0 : i32
        %dma_wait3A_174 = arith.constant 0 : i32
        %dma_wait3A_175 = tpu.memref_slice %arg11[%dma_wait3A_162, %dma_wait3A_173, %dma_wait3A_174] : memref<2x64x256xf32, #tpu.memory_space<vmem>> -> memref<1x64x256xf32, #tpu.memory_space<vmem>>
        %dma_wait3A_176 = tpu.memref_squeeze %dma_wait3A_175 : memref<1x64x256xf32, #tpu.memory_space<vmem>> -> memref<64x256xf32, #tpu.memory_space<vmem>>
        tpu.wait_dma2 semaphore(%arg12 : memref<!tpu.dma_semaphore, #tpu.memory_space<semaphore_mem>>) src(%dma_wait3A_176 : memref<64x256xf32, #tpu.memory_space<vmem>>) dst(%dma_wait3A_172 : memref<64x256xf32, #tpu.memory_space<hbm>>)
      } else {
      }
      %parallel_loop3A = arith.constant 0 : i32
      %parallel_loop3A_110 = arith.constant 64 : i32
      %parallel_loop3A_111 = arith.constant 1 : i32
      scf.for %parallel_loop3A_160 = %parallel_loop3A to %parallel_loop3A_110 step %parallel_loop3A_111  : i32 {
        %parallel_loop3A_161 = arith.constant 0 : i32
        %parallel_loop3A_162 = vector.broadcast %parallel_loop3A_161 : i32 to vector<16xi32>
        %parallel_loop3A_163 = arith.muli %iota3A, %parallel_loop3A_162 : vector<16xi32>
        %parallel_loop3A_164 = arith.constant 64 : i32
        %parallel_loop3A_165 = arith.muli %add3A_107, %parallel_loop3A_164 : i32
        %parallel_loop3A_166 = arith.addi %parallel_loop3A_165, %parallel_loop3A_160 : i32
        %parallel_loop3A_167 = vector.broadcast %parallel_loop3A_166 : i32 to vector<16xi32>
        %parallel_loop3A_168 = arith.addi %parallel_loop3A_163, %parallel_loop3A_167 : vector<16xi32>
        %parallel_loop3A_169 = tpu.vector_load_idx %arg9[%parallel_loop3A_168] : memref<6272xi32, #tpu.memory_space<vmem>>[vector<16xi32>], vector<16xi32>,
        %parallel_loop3A_170 = arith.constant 128 : i32
        %parallel_loop3A_171 = vector.broadcast %parallel_loop3A_170 : i32 to vector<16xi32>
        %parallel_loop3A_172 = arith.muli %parallel_loop3A_169, %parallel_loop3A_171 : vector<16xi32>
        %parallel_loop3A_173 = tpu.vector_load_idx %arg10[%parallel_loop3A_168] : memref<6272xi32, #tpu.memory_space<vmem>>[vector<16xi32>], vector<16xi32>,
        %parallel_loop3A_174 = arith.constant 128 : i32
        %parallel_loop3A_175 = vector.broadcast %parallel_loop3A_174 : i32 to vector<16xi32>
        %parallel_loop3A_176 = arith.muli %parallel_loop3A_173, %parallel_loop3A_175 : vector<16xi32>
        %parallel_loop3A_177 = arith.addi %parallel_loop3A_172, %add3A_41 : vector<16xi32>
        %parallel_loop3A_178 = tpu.vector_load_idx %arg7[%parallel_loop3A_177] : memref<28672xf32, #tpu.memory_space<vmem>>[vector<16xi32>], vector<16xf32>,
        %parallel_loop3A_179 = arith.constant 0 : i32
        %parallel_loop3A_180 = arith.index_cast %parallel_loop3A_179 : i32 to index
        %parallel_loop3A_181 = arith.index_cast %parallel_loop3A_160 : i32 to index
        %parallel_loop3A_182 = arith.constant 0 : index
        %parallel_loop3A_183 = tpu.vector_load %arg11[%parallel_loop3A_180, %parallel_loop3A_181, %parallel_loop3A_182] {strides = array<i32>} : memref<2x64x256xf32, #tpu.memory_space<vmem>>, vector<16xf32>,
        tpu.vector_store %arg11[%parallel_loop3A_180, %parallel_loop3A_181, %parallel_loop3A_182], %parallel_loop3A_178 {strides = array<i32>} : memref<2x64x256xf32, #tpu.memory_space<vmem>>, vector<16xf32>,
        %parallel_loop3A_184 = arith.addi %parallel_loop3A_176, %add3A_41 : vector<16xi32>
        %parallel_loop3A_185 = tpu.vector_load_idx %arg8[%parallel_loop3A_184] : memref<28672xf32, #tpu.memory_space<vmem>>[vector<16xi32>], vector<16xf32>,
        %parallel_loop3A_186 = arith.constant 0 : i32
        %parallel_loop3A_187 = arith.index_cast %parallel_loop3A_186 : i32 to index
        %parallel_loop3A_188 = arith.index_cast %parallel_loop3A_160 : i32 to index
        %parallel_loop3A_189 = arith.constant 128 : index
        %parallel_loop3A_190 = tpu.vector_load %arg11[%parallel_loop3A_187, %parallel_loop3A_188, %parallel_loop3A_189] {strides = array<i32>} : memref<2x64x256xf32, #tpu.memory_space<vmem>>, vector<16xf32>,
        tpu.vector_store %arg11[%parallel_loop3A_187, %parallel_loop3A_188, %parallel_loop3A_189], %parallel_loop3A_185 {strides = array<i32>} : memref<2x64x256xf32, #tpu.memory_space<vmem>>, vector<16xf32>,
        %parallel_loop3A_191 = arith.addi %parallel_loop3A_172, %add3A_44 : vector<16xi32>
        %parallel_loop3A_192 = tpu.vector_load_idx %arg7[%parallel_loop3A_191] : memref<28672xf32, #tpu.memory_space<vmem>>[vector<16xi32>], vector<16xf32>,
        %parallel_loop3A_193 = arith.constant 0 : i32
        %parallel_loop3A_194 = arith.index_cast %parallel_loop3A_193 : i32 to index
        %parallel_loop3A_195 = arith.index_cast %parallel_loop3A_160 : i32 to index
        %parallel_loop3A_196 = arith.constant 16 : index
        %parallel_loop3A_197 = tpu.vector_load %arg11[%parallel_loop3A_194, %parallel_loop3A_195, %parallel_loop3A_196] {strides = array<i32>} : memref<2x64x256xf32, #tpu.memory_space<vmem>>, vector<16xf32>,
        tpu.vector_store %arg11[%parallel_loop3A_194, %parallel_loop3A_195, %parallel_loop3A_196], %parallel_loop3A_192 {strides = array<i32>} : memref<2x64x256xf32, #tpu.memory_space<vmem>>, vector<16xf32>,
        %parallel_loop3A_198 = arith.addi %parallel_loop3A_176, %add3A_44 : vector<16xi32>
        %parallel_loop3A_199 = tpu.vector_load_idx %arg8[%parallel_loop3A_198] : memref<28672xf32, #tpu.memory_space<vmem>>[vector<16xi32>], vector<16xf32>,
        %parallel_loop3A_200 = arith.constant 0 : i32
        %parallel_loop3A_201 = arith.index_cast %parallel_loop3A_200 : i32 to index
        %parallel_loop3A_202 = arith.index_cast %parallel_loop3A_160 : i32 to index
        %parallel_loop3A_203 = arith.constant 144 : index
        %parallel_loop3A_204 = tpu.vector_load %arg11[%parallel_loop3A_201, %parallel_loop3A_202, %parallel_loop3A_203] {strides = array<i32>} : memref<2x64x256xf32, #tpu.memory_space<vmem>>, vector<16xf32>,
        tpu.vector_store %arg11[%parallel_loop3A_201, %parallel_loop3A_202, %parallel_loop3A_203], %parallel_loop3A_199 {strides = array<i32>} : memref<2x64x256xf32, #tpu.memory_space<vmem>>, vector<16xf32>,
        %parallel_loop3A_205 = arith.addi %parallel_loop3A_172, %add3A_47 : vector<16xi32>
        %parallel_loop3A_206 = tpu.vector_load_idx %arg7[%parallel_loop3A_205] : memref<28672xf32, #tpu.memory_space<vmem>>[vector<16xi32>], vector<16xf32>,
        %parallel_loop3A_207 = arith.constant 0 : i32
        %parallel_loop3A_208 = arith.index_cast %parallel_loop3A_207 : i32 to index
        %parallel_loop3A_209 = arith.index_cast %parallel_loop3A_160 : i32 to index
        %parallel_loop3A_210 = arith.constant 32 : index
        %parallel_loop3A_211 = tpu.vector_load %arg11[%parallel_loop3A_208, %parallel_loop3A_209, %parallel_loop3A_210] {strides = array<i32>} : memref<2x64x256xf32, #tpu.memory_space<vmem>>, vector<16xf32>,
        tpu.vector_store %arg11[%parallel_loop3A_208, %parallel_loop3A_209, %parallel_loop3A_210], %parallel_loop3A_206 {strides = array<i32>} : memref<2x64x256xf32, #tpu.memory_space<vmem>>, vector<16xf32>,
        %parallel_loop3A_212 = arith.addi %parallel_loop3A_176, %add3A_47 : vector<16xi32>
        %parallel_loop3A_213 = tpu.vector_load_idx %arg8[%parallel_loop3A_212] : memref<28672xf32, #tpu.memory_space<vmem>>[vector<16xi32>], vector<16xf32>,
        %parallel_loop3A_214 = arith.constant 0 : i32
        %parallel_loop3A_215 = arith.index_cast %parallel_loop3A_214 : i32 to index
        %parallel_loop3A_216 = arith.index_cast %parallel_loop3A_160 : i32 to index
        %parallel_loop3A_217 = arith.constant 160 : index
        %parallel_loop3A_218 = tpu.vector_load %arg11[%parallel_loop3A_215, %parallel_loop3A_216, %parallel_loop3A_217] {strides = array<i32>} : memref<2x64x256xf32, #tpu.memory_space<vmem>>, vector<16xf32>,
        tpu.vector_store %arg11[%parallel_loop3A_215, %parallel_loop3A_216, %parallel_loop3A_217], %parallel_loop3A_213 {strides = array<i32>} : memref<2x64x256xf32, #tpu.memory_space<vmem>>, vector<16xf32>,
        %parallel_loop3A_219 = arith.addi %parallel_loop3A_172, %add3A_50 : vector<16xi32>
        %parallel_loop3A_220 = tpu.vector_load_idx %arg7[%parallel_loop3A_219] : memref<28672xf32, #tpu.memory_space<vmem>>[vector<16xi32>], vector<16xf32>,
        %parallel_loop3A_221 = arith.constant 0 : i32
        %parallel_loop3A_222 = arith.index_cast %parallel_loop3A_221 : i32 to index
        %parallel_loop3A_223 = arith.index_cast %parallel_loop3A_160 : i32 to index
        %parallel_loop3A_224 = arith.constant 48 : index
        %parallel_loop3A_225 = tpu.vector_load %arg11[%parallel_loop3A_222, %parallel_loop3A_223, %parallel_loop3A_224] {strides = array<i32>} : memref<2x64x256xf32, #tpu.memory_space<vmem>>, vector<16xf32>,
        tpu.vector_store %arg11[%parallel_loop3A_222, %parallel_loop3A_223, %parallel_loop3A_224], %parallel_loop3A_220 {strides = array<i32>} : memref<2x64x256xf32, #tpu.memory_space<vmem>>, vector<16xf32>,
        %parallel_loop3A_226 = arith.addi %parallel_loop3A_176, %add3A_50 : vector<16xi32>
        %parallel_loop3A_227 = tpu.vector_load_idx %arg8[%parallel_loop3A_226] : memref<28672xf32, #tpu.memory_space<vmem>>[vector<16xi32>], vector<16xf32>,
        %parallel_loop3A_228 = arith.constant 0 : i32
        %parallel_loop3A_229 = arith.index_cast %parallel_loop3A_228 : i32 to index
        %parallel_loop3A_230 = arith.index_cast %parallel_loop3A_160 : i32 to index
        %parallel_loop3A_231 = arith.constant 176 : index
        %parallel_loop3A_232 = tpu.vector_load %arg11[%parallel_loop3A_229, %parallel_loop3A_230, %parallel_loop3A_231] {strides = array<i32>} : memref<2x64x256xf32, #tpu.memory_space<vmem>>, vector<16xf32>,
        tpu.vector_store %arg11[%parallel_loop3A_229, %parallel_loop3A_230, %parallel_loop3A_231], %parallel_loop3A_227 {strides = array<i32>} : memref<2x64x256xf32, #tpu.memory_space<vmem>>, vector<16xf32>,
        %parallel_loop3A_233 = arith.addi %parallel_loop3A_172, %add3A_53 : vector<16xi32>
        %parallel_loop3A_234 = tpu.vector_load_idx %arg7[%parallel_loop3A_233] : memref<28672xf32, #tpu.memory_space<vmem>>[vector<16xi32>], vector<16xf32>,
        %parallel_loop3A_235 = arith.constant 0 : i32
        %parallel_loop3A_236 = arith.index_cast %parallel_loop3A_235 : i32 to index
        %parallel_loop3A_237 = arith.index_cast %parallel_loop3A_160 : i32 to index
        %parallel_loop3A_238 = arith.constant 64 : index
        %parallel_loop3A_239 = tpu.vector_load %arg11[%parallel_loop3A_236, %parallel_loop3A_237, %parallel_loop3A_238] {strides = array<i32>} : memref<2x64x256xf32, #tpu.memory_space<vmem>>, vector<16xf32>,
        tpu.vector_store %arg11[%parallel_loop3A_236, %parallel_loop3A_237, %parallel_loop3A_238], %parallel_loop3A_234 {strides = array<i32>} : memref<2x64x256xf32, #tpu.memory_space<vmem>>, vector<16xf32>,
        %parallel_loop3A_240 = arith.addi %parallel_loop3A_176, %add3A_53 : vector<16xi32>
        %parallel_loop3A_241 = tpu.vector_load_idx %arg8[%parallel_loop3A_240] : memref<28672xf32, #tpu.memory_space<vmem>>[vector<16xi32>], vector<16xf32>,
        %parallel_loop3A_242 = arith.constant 0 : i32
        %parallel_loop3A_243 = arith.index_cast %parallel_loop3A_242 : i32 to index
        %parallel_loop3A_244 = arith.index_cast %parallel_loop3A_160 : i32 to index
        %parallel_loop3A_245 = arith.constant 192 : index
        %parallel_loop3A_246 = tpu.vector_load %arg11[%parallel_loop3A_243, %parallel_loop3A_244, %parallel_loop3A_245] {strides = array<i32>} : memref<2x64x256xf32, #tpu.memory_space<vmem>>, vector<16xf32>,
        tpu.vector_store %arg11[%parallel_loop3A_243, %parallel_loop3A_244, %parallel_loop3A_245], %parallel_loop3A_241 {strides = array<i32>} : memref<2x64x256xf32, #tpu.memory_space<vmem>>, vector<16xf32>,
        %parallel_loop3A_247 = arith.addi %parallel_loop3A_172, %add3A_56 : vector<16xi32>
        %parallel_loop3A_248 = tpu.vector_load_idx %arg7[%parallel_loop3A_247] : memref<28672xf32, #tpu.memory_space<vmem>>[vector<16xi32>], vector<16xf32>,
        %parallel_loop3A_249 = arith.constant 0 : i32
        %parallel_loop3A_250 = arith.index_cast %parallel_loop3A_249 : i32 to index
        %parallel_loop3A_251 = arith.index_cast %parallel_loop3A_160 : i32 to index
        %parallel_loop3A_252 = arith.constant 80 : index
        %parallel_loop3A_253 = tpu.vector_load %arg11[%parallel_loop3A_250, %parallel_loop3A_251, %parallel_loop3A_252] {strides = array<i32>} : memref<2x64x256xf32, #tpu.memory_space<vmem>>, vector<16xf32>,
        tpu.vector_store %arg11[%parallel_loop3A_250, %parallel_loop3A_251, %parallel_loop3A_252], %parallel_loop3A_248 {strides = array<i32>} : memref<2x64x256xf32, #tpu.memory_space<vmem>>, vector<16xf32>,
        %parallel_loop3A_254 = arith.addi %parallel_loop3A_176, %add3A_56 : vector<16xi32>
        %parallel_loop3A_255 = tpu.vector_load_idx %arg8[%parallel_loop3A_254] : memref<28672xf32, #tpu.memory_space<vmem>>[vector<16xi32>], vector<16xf32>,
        %parallel_loop3A_256 = arith.constant 0 : i32
        %parallel_loop3A_257 = arith.index_cast %parallel_loop3A_256 : i32 to index
        %parallel_loop3A_258 = arith.index_cast %parallel_loop3A_160 : i32 to index
        %parallel_loop3A_259 = arith.constant 208 : index
        %parallel_loop3A_260 = tpu.vector_load %arg11[%parallel_loop3A_257, %parallel_loop3A_258, %parallel_loop3A_259] {strides = array<i32>} : memref<2x64x256xf32, #tpu.memory_space<vmem>>, vector<16xf32>,
        tpu.vector_store %arg11[%parallel_loop3A_257, %parallel_loop3A_258, %parallel_loop3A_259], %parallel_loop3A_255 {strides = array<i32>} : memref<2x64x256xf32, #tpu.memory_space<vmem>>, vector<16xf32>,
        %parallel_loop3A_261 = arith.addi %parallel_loop3A_172, %add3A_59 : vector<16xi32>
        %parallel_loop3A_262 = tpu.vector_load_idx %arg7[%parallel_loop3A_261] : memref<28672xf32, #tpu.memory_space<vmem>>[vector<16xi32>], vector<16xf32>,
        %parallel_loop3A_263 = arith.constant 0 : i32
        %parallel_loop3A_264 = arith.index_cast %parallel_loop3A_263 : i32 to index
        %parallel_loop3A_265 = arith.index_cast %parallel_loop3A_160 : i32 to index
        %parallel_loop3A_266 = arith.constant 96 : index
        %parallel_loop3A_267 = tpu.vector_load %arg11[%parallel_loop3A_264, %parallel_loop3A_265, %parallel_loop3A_266] {strides = array<i32>} : memref<2x64x256xf32, #tpu.memory_space<vmem>>, vector<16xf32>,
        tpu.vector_store %arg11[%parallel_loop3A_264, %parallel_loop3A_265, %parallel_loop3A_266], %parallel_loop3A_262 {strides = array<i32>} : memref<2x64x256xf32, #tpu.memory_space<vmem>>, vector<16xf32>,
        %parallel_loop3A_268 = arith.addi %parallel_loop3A_176, %add3A_59 : vector<16xi32>
        %parallel_loop3A_269 = tpu.vector_load_idx %arg8[%parallel_loop3A_268] : memref<28672xf32, #tpu.memory_space<vmem>>[vector<16xi32>], vector<16xf32>,
        %parallel_loop3A_270 = arith.constant 0 : i32
        %parallel_loop3A_271 = arith.index_cast %parallel_loop3A_270 : i32 to index
        %parallel_loop3A_272 = arith.index_cast %parallel_loop3A_160 : i32 to index
        %parallel_loop3A_273 = arith.constant 224 : index
        %parallel_loop3A_274 = tpu.vector_load %arg11[%parallel_loop3A_271, %parallel_loop3A_272, %parallel_loop3A_273] {strides = array<i32>} : memref<2x64x256xf32, #tpu.memory_space<vmem>>, vector<16xf32>,
        tpu.vector_store %arg11[%parallel_loop3A_271, %parallel_loop3A_272, %parallel_loop3A_273], %parallel_loop3A_269 {strides = array<i32>} : memref<2x64x256xf32, #tpu.memory_space<vmem>>, vector<16xf32>,
        %parallel_loop3A_275 = arith.addi %parallel_loop3A_172, %add3A_62 : vector<16xi32>
        %parallel_loop3A_276 = tpu.vector_load_idx %arg7[%parallel_loop3A_275] : memref<28672xf32, #tpu.memory_space<vmem>>[vector<16xi32>], vector<16xf32>,
        %parallel_loop3A_277 = arith.constant 0 : i32
        %parallel_loop3A_278 = arith.index_cast %parallel_loop3A_277 : i32 to index
        %parallel_loop3A_279 = arith.index_cast %parallel_loop3A_160 : i32 to index
        %parallel_loop3A_280 = arith.constant 112 : index
        %parallel_loop3A_281 = tpu.vector_load %arg11[%parallel_loop3A_278, %parallel_loop3A_279, %parallel_loop3A_280] {strides = array<i32>} : memref<2x64x256xf32, #tpu.memory_space<vmem>>, vector<16xf32>,
        tpu.vector_store %arg11[%parallel_loop3A_278, %parallel_loop3A_279, %parallel_loop3A_280], %parallel_loop3A_276 {strides = array<i32>} : memref<2x64x256xf32, #tpu.memory_space<vmem>>, vector<16xf32>,
        %parallel_loop3A_282 = arith.addi %parallel_loop3A_176, %add3A_62 : vector<16xi32>
        %parallel_loop3A_283 = tpu.vector_load_idx %arg8[%parallel_loop3A_282] : memref<28672xf32, #tpu.memory_space<vmem>>[vector<16xi32>], vector<16xf32>,
        %parallel_loop3A_284 = arith.constant 0 : i32
        %parallel_loop3A_285 = arith.index_cast %parallel_loop3A_284 : i32 to index
        %parallel_loop3A_286 = arith.index_cast %parallel_loop3A_160 : i32 to index
        %parallel_loop3A_287 = arith.constant 240 : index
        %parallel_loop3A_288 = tpu.vector_load %arg11[%parallel_loop3A_285, %parallel_loop3A_286, %parallel_loop3A_287] {strides = array<i32>} : memref<2x64x256xf32, #tpu.memory_space<vmem>>, vector<16xf32>,
        tpu.vector_store %arg11[%parallel_loop3A_285, %parallel_loop3A_286, %parallel_loop3A_287], %parallel_loop3A_283 {strides = array<i32>} : memref<2x64x256xf32, #tpu.memory_space<vmem>>, vector<16xf32>,
      } {sc.loop_unroll_factor = 4 : i64, sc.parallel_access}
      %mul3A_112 = arith.constant 64 : i32
      %mul3A_113 = arith.muli %add3A_107, %mul3A_112 : i32
      %add3A_114 = arith.addi %mul3A_32, %mul3A_113 : i32
      %dma_start3A = arith.constant 0 : i32
      %dma_start3A_115 = arith.constant 0 : i32
      %dma_start3A_116 = arith.constant 0 : i32
      %dma_start3A_117 = tpu.memref_slice %arg11[%dma_start3A, %dma_start3A_115, %dma_start3A_116] : memref<2x64x256xf32, #tpu.memory_space<vmem>> -> memref<1x64x256xf32, #tpu.memory_space<vmem>>
      %dma_start3A_118 = tpu.memref_squeeze %dma_start3A_117 : memref<1x64x256xf32, #tpu.memory_space<vmem>> -> memref<64x256xf32, #tpu.memory_space<vmem>>
      %dma_start3A_119 = arith.constant 0 : i32
      %dma_start3A_120 = tpu.memref_slice %arg6[%select_n3A, %add3A_114, %dma_start3A_119] : memref<4x50176x256xf32, #tpu.memory_space<hbm>> -> memref<1x64x256xf32, #tpu.memory_space<hbm>>
      %dma_start3A_121 = tpu.memref_squeeze %dma_start3A_120 : memref<1x64x256xf32, #tpu.memory_space<hbm>> -> memref<64x256xf32, #tpu.memory_space<hbm>>
      %dma_start3A_122 = arith.constant 0 : i32
      %dma_start3A_123 = tpu.memref_slice %arg6[%select_n3A, %add3A_114, %dma_start3A_122] : memref<4x50176x256xf32, #tpu.memory_space<hbm>> -> memref<1x64x256xf32, #tpu.memory_space<hbm>>
      %dma_start3A_124 = tpu.memref_squeeze %dma_start3A_123 : memref<1x64x256xf32, #tpu.memory_space<hbm>> -> memref<64x256xf32, #tpu.memory_space<hbm>>
      %dma_start3A_125 = arith.constant 0 : i32
      %dma_start3A_126 = arith.constant 0 : i32
      %dma_start3A_127 = tpu.memref_slice %arg11[%dma_start3A, %dma_start3A_125, %dma_start3A_126] : memref<2x64x256xf32, #tpu.memory_space<vmem>> -> memref<1x64x256xf32, #tpu.memory_space<vmem>>
      %dma_start3A_128 = tpu.memref_squeeze %dma_start3A_127 : memref<1x64x256xf32, #tpu.memory_space<vmem>> -> memref<64x256xf32, #tpu.memory_space<vmem>>
      tpu.enqueue_dma source(%dma_start3A_128 : memref<64x256xf32, #tpu.memory_space<vmem>>) target(%dma_start3A_124 : memref<64x256xf32, #tpu.memory_space<hbm>>) target_semaphore(%arg12 : memref<!tpu.dma_semaphore, #tpu.memory_space<semaphore_mem>>)
      %mul3A_129 = arith.constant 2 : i32
      %mul3A_130 = arith.muli %mul3A_129, %scan3A_102 : i32
      %add3A_131 = arith.constant 1 : i32
      %add3A_132 = arith.addi %mul3A_130, %add3A_131 : i32
      %ge3A_133 = arith.constant 1 : i32
      %ge3A_134 = arith.cmpi sge, %scan3A_102, %ge3A_133 : i32
      %convert_element_type3A_135 = arith.extui %ge3A_134 : i1 to i32
      %cond3A_136 = arith.constant 0 : i32
      %cond3A_137 = arith.cmpi ne, %convert_element_type3A_135, %cond3A_136 : i32
      scf.if %cond3A_137 {
        %add3A_160 = arith.constant 0 : i32
        %add3A_161 = arith.addi %mul3A_32, %add3A_160 : i32
        %dma_wait3A_162 = arith.constant 1 : i32
        %dma_wait3A_163 = arith.constant 0 : i32
        %dma_wait3A_164 = arith.constant 0 : i32
        %dma_wait3A_165 = tpu.memref_slice %arg11[%dma_wait3A_162, %dma_wait3A_163, %dma_wait3A_164] : memref<2x64x256xf32, #tpu.memory_space<vmem>> -> memref<1x64x256xf32, #tpu.memory_space<vmem>>
        %dma_wait3A_166 = tpu.memref_squeeze %dma_wait3A_165 : memref<1x64x256xf32, #tpu.memory_space<vmem>> -> memref<64x256xf32, #tpu.memory_space<vmem>>
        %dma_wait3A_167 = arith.constant 0 : i32
        %dma_wait3A_168 = tpu.memref_slice %arg6[%select_n3A, %add3A_161, %dma_wait3A_167] : memref<4x50176x256xf32, #tpu.memory_space<hbm>> -> memref<1x64x256xf32, #tpu.memory_space<hbm>>
        %dma_wait3A_169 = tpu.memref_squeeze %dma_wait3A_168 : memref<1x64x256xf32, #tpu.memory_space<hbm>> -> memref<64x256xf32, #tpu.memory_space<hbm>>
        %dma_wait3A_170 = arith.constant 0 : i32
        %dma_wait3A_171 = tpu.memref_slice %arg6[%select_n3A, %add3A_161, %dma_wait3A_170] : memref<4x50176x256xf32, #tpu.memory_space<hbm>> -> memref<1x64x256xf32, #tpu.memory_space<hbm>>
        %dma_wait3A_172 = tpu.memref_squeeze %dma_wait3A_171 : memref<1x64x256xf32, #tpu.memory_space<hbm>> -> memref<64x256xf32, #tpu.memory_space<hbm>>
        %dma_wait3A_173 = arith.constant 0 : i32
        %dma_wait3A_174 = arith.constant 0 : i32
        %dma_wait3A_175 = tpu.memref_slice %arg11[%dma_wait3A_162, %dma_wait3A_173, %dma_wait3A_174] : memref<2x64x256xf32, #tpu.memory_space<vmem>> -> memref<1x64x256xf32, #tpu.memory_space<vmem>>
        %dma_wait3A_176 = tpu.memref_squeeze %dma_wait3A_175 : memref<1x64x256xf32, #tpu.memory_space<vmem>> -> memref<64x256xf32, #tpu.memory_space<vmem>>
        tpu.wait_dma2 semaphore(%arg13 : memref<!tpu.dma_semaphore, #tpu.memory_space<semaphore_mem>>) src(%dma_wait3A_176 : memref<64x256xf32, #tpu.memory_space<vmem>>) dst(%dma_wait3A_172 : memref<64x256xf32, #tpu.memory_space<hbm>>)
      } else {
      }
      %parallel_loop3A_138 = arith.constant 0 : i32
      %parallel_loop3A_139 = arith.constant 64 : i32
      %parallel_loop3A_140 = arith.constant 1 : i32
      scf.for %parallel_loop3A_160 = %parallel_loop3A_138 to %parallel_loop3A_139 step %parallel_loop3A_140  : i32 {
        %parallel_loop3A_161 = arith.constant 0 : i32
        %parallel_loop3A_162 = vector.broadcast %parallel_loop3A_161 : i32 to vector<16xi32>
        %parallel_loop3A_163 = arith.muli %iota3A, %parallel_loop3A_162 : vector<16xi32>
        %parallel_loop3A_164 = arith.constant 64 : i32
        %parallel_loop3A_165 = arith.muli %add3A_132, %parallel_loop3A_164 : i32
        %parallel_loop3A_166 = arith.addi %parallel_loop3A_165, %parallel_loop3A_160 : i32
        %parallel_loop3A_167 = vector.broadcast %parallel_loop3A_166 : i32 to vector<16xi32>
        %parallel_loop3A_168 = arith.addi %parallel_loop3A_163, %parallel_loop3A_167 : vector<16xi32>
        %parallel_loop3A_169 = tpu.vector_load_idx %arg9[%parallel_loop3A_168] : memref<6272xi32, #tpu.memory_space<vmem>>[vector<16xi32>], vector<16xi32>,
        %parallel_loop3A_170 = arith.constant 128 : i32
        %parallel_loop3A_171 = vector.broadcast %parallel_loop3A_170 : i32 to vector<16xi32>
        %parallel_loop3A_172 = arith.muli %parallel_loop3A_169, %parallel_loop3A_171 : vector<16xi32>
        %parallel_loop3A_173 = tpu.vector_load_idx %arg10[%parallel_loop3A_168] : memref<6272xi32, #tpu.memory_space<vmem>>[vector<16xi32>], vector<16xi32>,
        %parallel_loop3A_174 = arith.constant 128 : i32
        %parallel_loop3A_175 = vector.broadcast %parallel_loop3A_174 : i32 to vector<16xi32>
        %parallel_loop3A_176 = arith.muli %parallel_loop3A_173, %parallel_loop3A_175 : vector<16xi32>
        %parallel_loop3A_177 = arith.addi %parallel_loop3A_172, %add3A_41 : vector<16xi32>
        %parallel_loop3A_178 = tpu.vector_load_idx %arg7[%parallel_loop3A_177] : memref<28672xf32, #tpu.memory_space<vmem>>[vector<16xi32>], vector<16xf32>,
        %parallel_loop3A_179 = arith.constant 1 : i32
        %parallel_loop3A_180 = arith.index_cast %parallel_loop3A_179 : i32 to index
        %parallel_loop3A_181 = arith.index_cast %parallel_loop3A_160 : i32 to index
        %parallel_loop3A_182 = arith.constant 0 : index
        %parallel_loop3A_183 = tpu.vector_load %arg11[%parallel_loop3A_180, %parallel_loop3A_181, %parallel_loop3A_182] {strides = array<i32>} : memref<2x64x256xf32, #tpu.memory_space<vmem>>, vector<16xf32>,
        tpu.vector_store %arg11[%parallel_loop3A_180, %parallel_loop3A_181, %parallel_loop3A_182], %parallel_loop3A_178 {strides = array<i32>} : memref<2x64x256xf32, #tpu.memory_space<vmem>>, vector<16xf32>,
        %parallel_loop3A_184 = arith.addi %parallel_loop3A_176, %add3A_41 : vector<16xi32>
        %parallel_loop3A_185 = tpu.vector_load_idx %arg8[%parallel_loop3A_184] : memref<28672xf32, #tpu.memory_space<vmem>>[vector<16xi32>], vector<16xf32>,
        %parallel_loop3A_186 = arith.constant 1 : i32
        %parallel_loop3A_187 = arith.index_cast %parallel_loop3A_186 : i32 to index
        %parallel_loop3A_188 = arith.index_cast %parallel_loop3A_160 : i32 to index
        %parallel_loop3A_189 = arith.constant 128 : index
        %parallel_loop3A_190 = tpu.vector_load %arg11[%parallel_loop3A_187, %parallel_loop3A_188, %parallel_loop3A_189] {strides = array<i32>} : memref<2x64x256xf32, #tpu.memory_space<vmem>>, vector<16xf32>,
        tpu.vector_store %arg11[%parallel_loop3A_187, %parallel_loop3A_188, %parallel_loop3A_189], %parallel_loop3A_185 {strides = array<i32>} : memref<2x64x256xf32, #tpu.memory_space<vmem>>, vector<16xf32>,
        %parallel_loop3A_191 = arith.addi %parallel_loop3A_172, %add3A_44 : vector<16xi32>
        %parallel_loop3A_192 = tpu.vector_load_idx %arg7[%parallel_loop3A_191] : memref<28672xf32, #tpu.memory_space<vmem>>[vector<16xi32>], vector<16xf32>,
        %parallel_loop3A_193 = arith.constant 1 : i32
        %parallel_loop3A_194 = arith.index_cast %parallel_loop3A_193 : i32 to index
        %parallel_loop3A_195 = arith.index_cast %parallel_loop3A_160 : i32 to index
        %parallel_loop3A_196 = arith.constant 16 : index
        %parallel_loop3A_197 = tpu.vector_load %arg11[%parallel_loop3A_194, %parallel_loop3A_195, %parallel_loop3A_196] {strides = array<i32>} : memref<2x64x256xf32, #tpu.memory_space<vmem>>, vector<16xf32>,
        tpu.vector_store %arg11[%parallel_loop3A_194, %parallel_loop3A_195, %parallel_loop3A_196], %parallel_loop3A_192 {strides = array<i32>} : memref<2x64x256xf32, #tpu.memory_space<vmem>>, vector<16xf32>,
        %parallel_loop3A_198 = arith.addi %parallel_loop3A_176, %add3A_44 : vector<16xi32>
        %parallel_loop3A_199 = tpu.vector_load_idx %arg8[%parallel_loop3A_198] : memref<28672xf32, #tpu.memory_space<vmem>>[vector<16xi32>], vector<16xf32>,
        %parallel_loop3A_200 = arith.constant 1 : i32
        %parallel_loop3A_201 = arith.index_cast %parallel_loop3A_200 : i32 to index
        %parallel_loop3A_202 = arith.index_cast %parallel_loop3A_160 : i32 to index
        %parallel_loop3A_203 = arith.constant 144 : index
        %parallel_loop3A_204 = tpu.vector_load %arg11[%parallel_loop3A_201, %parallel_loop3A_202, %parallel_loop3A_203] {strides = array<i32>} : memref<2x64x256xf32, #tpu.memory_space<vmem>>, vector<16xf32>,
        tpu.vector_store %arg11[%parallel_loop3A_201, %parallel_loop3A_202, %parallel_loop3A_203], %parallel_loop3A_199 {strides = array<i32>} : memref<2x64x256xf32, #tpu.memory_space<vmem>>, vector<16xf32>,
        %parallel_loop3A_205 = arith.addi %parallel_loop3A_172, %add3A_47 : vector<16xi32>
        %parallel_loop3A_206 = tpu.vector_load_idx %arg7[%parallel_loop3A_205] : memref<28672xf32, #tpu.memory_space<vmem>>[vector<16xi32>], vector<16xf32>,
        %parallel_loop3A_207 = arith.constant 1 : i32
        %parallel_loop3A_208 = arith.index_cast %parallel_loop3A_207 : i32 to index
        %parallel_loop3A_209 = arith.index_cast %parallel_loop3A_160 : i32 to index
        %parallel_loop3A_210 = arith.constant 32 : index
        %parallel_loop3A_211 = tpu.vector_load %arg11[%parallel_loop3A_208, %parallel_loop3A_209, %parallel_loop3A_210] {strides = array<i32>} : memref<2x64x256xf32, #tpu.memory_space<vmem>>, vector<16xf32>,
        tpu.vector_store %arg11[%parallel_loop3A_208, %parallel_loop3A_209, %parallel_loop3A_210], %parallel_loop3A_206 {strides = array<i32>} : memref<2x64x256xf32, #tpu.memory_space<vmem>>, vector<16xf32>,
        %parallel_loop3A_212 = arith.addi %parallel_loop3A_176, %add3A_47 : vector<16xi32>
        %parallel_loop3A_213 = tpu.vector_load_idx %arg8[%parallel_loop3A_212] : memref<28672xf32, #tpu.memory_space<vmem>>[vector<16xi32>], vector<16xf32>,
        %parallel_loop3A_214 = arith.constant 1 : i32
        %parallel_loop3A_215 = arith.index_cast %parallel_loop3A_214 : i32 to index
        %parallel_loop3A_216 = arith.index_cast %parallel_loop3A_160 : i32 to index
        %parallel_loop3A_217 = arith.constant 160 : index
        %parallel_loop3A_218 = tpu.vector_load %arg11[%parallel_loop3A_215, %parallel_loop3A_216, %parallel_loop3A_217] {strides = array<i32>} : memref<2x64x256xf32, #tpu.memory_space<vmem>>, vector<16xf32>,
        tpu.vector_store %arg11[%parallel_loop3A_215, %parallel_loop3A_216, %parallel_loop3A_217], %parallel_loop3A_213 {strides = array<i32>} : memref<2x64x256xf32, #tpu.memory_space<vmem>>, vector<16xf32>,
        %parallel_loop3A_219 = arith.addi %parallel_loop3A_172, %add3A_50 : vector<16xi32>
        %parallel_loop3A_220 = tpu.vector_load_idx %arg7[%parallel_loop3A_219] : memref<28672xf32, #tpu.memory_space<vmem>>[vector<16xi32>], vector<16xf32>,
        %parallel_loop3A_221 = arith.constant 1 : i32
        %parallel_loop3A_222 = arith.index_cast %parallel_loop3A_221 : i32 to index
        %parallel_loop3A_223 = arith.index_cast %parallel_loop3A_160 : i32 to index
        %parallel_loop3A_224 = arith.constant 48 : index
        %parallel_loop3A_225 = tpu.vector_load %arg11[%parallel_loop3A_222, %parallel_loop3A_223, %parallel_loop3A_224] {strides = array<i32>} : memref<2x64x256xf32, #tpu.memory_space<vmem>>, vector<16xf32>,
        tpu.vector_store %arg11[%parallel_loop3A_222, %parallel_loop3A_223, %parallel_loop3A_224], %parallel_loop3A_220 {strides = array<i32>} : memref<2x64x256xf32, #tpu.memory_space<vmem>>, vector<16xf32>,
        %parallel_loop3A_226 = arith.addi %parallel_loop3A_176, %add3A_50 : vector<16xi32>
        %parallel_loop3A_227 = tpu.vector_load_idx %arg8[%parallel_loop3A_226] : memref<28672xf32, #tpu.memory_space<vmem>>[vector<16xi32>], vector<16xf32>,
        %parallel_loop3A_228 = arith.constant 1 : i32
        %parallel_loop3A_229 = arith.index_cast %parallel_loop3A_228 : i32 to index
        %parallel_loop3A_230 = arith.index_cast %parallel_loop3A_160 : i32 to index
        %parallel_loop3A_231 = arith.constant 176 : index
        %parallel_loop3A_232 = tpu.vector_load %arg11[%parallel_loop3A_229, %parallel_loop3A_230, %parallel_loop3A_231] {strides = array<i32>} : memref<2x64x256xf32, #tpu.memory_space<vmem>>, vector<16xf32>,
        tpu.vector_store %arg11[%parallel_loop3A_229, %parallel_loop3A_230, %parallel_loop3A_231], %parallel_loop3A_227 {strides = array<i32>} : memref<2x64x256xf32, #tpu.memory_space<vmem>>, vector<16xf32>,
        %parallel_loop3A_233 = arith.addi %parallel_loop3A_172, %add3A_53 : vector<16xi32>
        %parallel_loop3A_234 = tpu.vector_load_idx %arg7[%parallel_loop3A_233] : memref<28672xf32, #tpu.memory_space<vmem>>[vector<16xi32>], vector<16xf32>,
        %parallel_loop3A_235 = arith.constant 1 : i32
        %parallel_loop3A_236 = arith.index_cast %parallel_loop3A_235 : i32 to index
        %parallel_loop3A_237 = arith.index_cast %parallel_loop3A_160 : i32 to index
        %parallel_loop3A_238 = arith.constant 64 : index
        %parallel_loop3A_239 = tpu.vector_load %arg11[%parallel_loop3A_236, %parallel_loop3A_237, %parallel_loop3A_238] {strides = array<i32>} : memref<2x64x256xf32, #tpu.memory_space<vmem>>, vector<16xf32>,
        tpu.vector_store %arg11[%parallel_loop3A_236, %parallel_loop3A_237, %parallel_loop3A_238], %parallel_loop3A_234 {strides = array<i32>} : memref<2x64x256xf32, #tpu.memory_space<vmem>>, vector<16xf32>,
        %parallel_loop3A_240 = arith.addi %parallel_loop3A_176, %add3A_53 : vector<16xi32>
        %parallel_loop3A_241 = tpu.vector_load_idx %arg8[%parallel_loop3A_240] : memref<28672xf32, #tpu.memory_space<vmem>>[vector<16xi32>], vector<16xf32>,
        %parallel_loop3A_242 = arith.constant 1 : i32
        %parallel_loop3A_243 = arith.index_cast %parallel_loop3A_242 : i32 to index
        %parallel_loop3A_244 = arith.index_cast %parallel_loop3A_160 : i32 to index
        %parallel_loop3A_245 = arith.constant 192 : index
        %parallel_loop3A_246 = tpu.vector_load %arg11[%parallel_loop3A_243, %parallel_loop3A_244, %parallel_loop3A_245] {strides = array<i32>} : memref<2x64x256xf32, #tpu.memory_space<vmem>>, vector<16xf32>,
        tpu.vector_store %arg11[%parallel_loop3A_243, %parallel_loop3A_244, %parallel_loop3A_245], %parallel_loop3A_241 {strides = array<i32>} : memref<2x64x256xf32, #tpu.memory_space<vmem>>, vector<16xf32>,
        %parallel_loop3A_247 = arith.addi %parallel_loop3A_172, %add3A_56 : vector<16xi32>
        %parallel_loop3A_248 = tpu.vector_load_idx %arg7[%parallel_loop3A_247] : memref<28672xf32, #tpu.memory_space<vmem>>[vector<16xi32>], vector<16xf32>,
        %parallel_loop3A_249 = arith.constant 1 : i32
        %parallel_loop3A_250 = arith.index_cast %parallel_loop3A_249 : i32 to index
        %parallel_loop3A_251 = arith.index_cast %parallel_loop3A_160 : i32 to index
        %parallel_loop3A_252 = arith.constant 80 : index
        %parallel_loop3A_253 = tpu.vector_load %arg11[%parallel_loop3A_250, %parallel_loop3A_251, %parallel_loop3A_252] {strides = array<i32>} : memref<2x64x256xf32, #tpu.memory_space<vmem>>, vector<16xf32>,
        tpu.vector_store %arg11[%parallel_loop3A_250, %parallel_loop3A_251, %parallel_loop3A_252], %parallel_loop3A_248 {strides = array<i32>} : memref<2x64x256xf32, #tpu.memory_space<vmem>>, vector<16xf32>,
        %parallel_loop3A_254 = arith.addi %parallel_loop3A_176, %add3A_56 : vector<16xi32>
        %parallel_loop3A_255 = tpu.vector_load_idx %arg8[%parallel_loop3A_254] : memref<28672xf32, #tpu.memory_space<vmem>>[vector<16xi32>], vector<16xf32>,
        %parallel_loop3A_256 = arith.constant 1 : i32
        %parallel_loop3A_257 = arith.index_cast %parallel_loop3A_256 : i32 to index
        %parallel_loop3A_258 = arith.index_cast %parallel_loop3A_160 : i32 to index
        %parallel_loop3A_259 = arith.constant 208 : index
        %parallel_loop3A_260 = tpu.vector_load %arg11[%parallel_loop3A_257, %parallel_loop3A_258, %parallel_loop3A_259] {strides = array<i32>} : memref<2x64x256xf32, #tpu.memory_space<vmem>>, vector<16xf32>,
        tpu.vector_store %arg11[%parallel_loop3A_257, %parallel_loop3A_258, %parallel_loop3A_259], %parallel_loop3A_255 {strides = array<i32>} : memref<2x64x256xf32, #tpu.memory_space<vmem>>, vector<16xf32>,
        %parallel_loop3A_261 = arith.addi %parallel_loop3A_172, %add3A_59 : vector<16xi32>
        %parallel_loop3A_262 = tpu.vector_load_idx %arg7[%parallel_loop3A_261] : memref<28672xf32, #tpu.memory_space<vmem>>[vector<16xi32>], vector<16xf32>,
        %parallel_loop3A_263 = arith.constant 1 : i32
        %parallel_loop3A_264 = arith.index_cast %parallel_loop3A_263 : i32 to index
        %parallel_loop3A_265 = arith.index_cast %parallel_loop3A_160 : i32 to index
        %parallel_loop3A_266 = arith.constant 96 : index
        %parallel_loop3A_267 = tpu.vector_load %arg11[%parallel_loop3A_264, %parallel_loop3A_265, %parallel_loop3A_266] {strides = array<i32>} : memref<2x64x256xf32, #tpu.memory_space<vmem>>, vector<16xf32>,
        tpu.vector_store %arg11[%parallel_loop3A_264, %parallel_loop3A_265, %parallel_loop3A_266], %parallel_loop3A_262 {strides = array<i32>} : memref<2x64x256xf32, #tpu.memory_space<vmem>>, vector<16xf32>,
        %parallel_loop3A_268 = arith.addi %parallel_loop3A_176, %add3A_59 : vector<16xi32>
        %parallel_loop3A_269 = tpu.vector_load_idx %arg8[%parallel_loop3A_268] : memref<28672xf32, #tpu.memory_space<vmem>>[vector<16xi32>], vector<16xf32>,
        %parallel_loop3A_270 = arith.constant 1 : i32
        %parallel_loop3A_271 = arith.index_cast %parallel_loop3A_270 : i32 to index
        %parallel_loop3A_272 = arith.index_cast %parallel_loop3A_160 : i32 to index
        %parallel_loop3A_273 = arith.constant 224 : index
        %parallel_loop3A_274 = tpu.vector_load %arg11[%parallel_loop3A_271, %parallel_loop3A_272, %parallel_loop3A_273] {strides = array<i32>} : memref<2x64x256xf32, #tpu.memory_space<vmem>>, vector<16xf32>,
        tpu.vector_store %arg11[%parallel_loop3A_271, %parallel_loop3A_272, %parallel_loop3A_273], %parallel_loop3A_269 {strides = array<i32>} : memref<2x64x256xf32, #tpu.memory_space<vmem>>, vector<16xf32>,
        %parallel_loop3A_275 = arith.addi %parallel_loop3A_172, %add3A_62 : vector<16xi32>
        %parallel_loop3A_276 = tpu.vector_load_idx %arg7[%parallel_loop3A_275] : memref<28672xf32, #tpu.memory_space<vmem>>[vector<16xi32>], vector<16xf32>,
        %parallel_loop3A_277 = arith.constant 1 : i32
        %parallel_loop3A_278 = arith.index_cast %parallel_loop3A_277 : i32 to index
        %parallel_loop3A_279 = arith.index_cast %parallel_loop3A_160 : i32 to index
        %parallel_loop3A_280 = arith.constant 112 : index
        %parallel_loop3A_281 = tpu.vector_load %arg11[%parallel_loop3A_278, %parallel_loop3A_279, %parallel_loop3A_280] {strides = array<i32>} : memref<2x64x256xf32, #tpu.memory_space<vmem>>, vector<16xf32>,
        tpu.vector_store %arg11[%parallel_loop3A_278, %parallel_loop3A_279, %parallel_loop3A_280], %parallel_loop3A_276 {strides = array<i32>} : memref<2x64x256xf32, #tpu.memory_space<vmem>>, vector<16xf32>,
        %parallel_loop3A_282 = arith.addi %parallel_loop3A_176, %add3A_62 : vector<16xi32>
        %parallel_loop3A_283 = tpu.vector_load_idx %arg8[%parallel_loop3A_282] : memref<28672xf32, #tpu.memory_space<vmem>>[vector<16xi32>], vector<16xf32>,
        %parallel_loop3A_284 = arith.constant 1 : i32
        %parallel_loop3A_285 = arith.index_cast %parallel_loop3A_284 : i32 to index
        %parallel_loop3A_286 = arith.index_cast %parallel_loop3A_160 : i32 to index
        %parallel_loop3A_287 = arith.constant 240 : index
        %parallel_loop3A_288 = tpu.vector_load %arg11[%parallel_loop3A_285, %parallel_loop3A_286, %parallel_loop3A_287] {strides = array<i32>} : memref<2x64x256xf32, #tpu.memory_space<vmem>>, vector<16xf32>,
        tpu.vector_store %arg11[%parallel_loop3A_285, %parallel_loop3A_286, %parallel_loop3A_287], %parallel_loop3A_283 {strides = array<i32>} : memref<2x64x256xf32, #tpu.memory_space<vmem>>, vector<16xf32>,
      } {sc.loop_unroll_factor = 4 : i64, sc.parallel_access}
      %mul3A_141 = arith.constant 64 : i32
      %mul3A_142 = arith.muli %add3A_132, %mul3A_141 : i32
      %add3A_143 = arith.addi %mul3A_32, %mul3A_142 : i32
      %dma_start3A_144 = arith.constant 1 : i32
      %dma_start3A_145 = arith.constant 0 : i32
      %dma_start3A_146 = arith.constant 0 : i32
      %dma_start3A_147 = tpu.memref_slice %arg11[%dma_start3A_144, %dma_start3A_145, %dma_start3A_146] : memref<2x64x256xf32, #tpu.memory_space<vmem>> -> memref<1x64x256xf32, #tpu.memory_space<vmem>>
      %dma_start3A_148 = tpu.memref_squeeze %dma_start3A_147 : memref<1x64x256xf32, #tpu.memory_space<vmem>> -> memref<64x256xf32, #tpu.memory_space<vmem>>
      %dma_start3A_149 = arith.constant 0 : i32
      %dma_start3A_150 = tpu.memref_slice %arg6[%select_n3A, %add3A_143, %dma_start3A_149] : memref<4x50176x256xf32, #tpu.memory_space<hbm>> -> memref<1x64x256xf32, #tpu.memory_space<hbm>>
      %dma_start3A_151 = tpu.memref_squeeze %dma_start3A_150 : memref<1x64x256xf32, #tpu.memory_space<hbm>> -> memref<64x256xf32, #tpu.memory_space<hbm>>
      %dma_start3A_152 = arith.constant 0 : i32
      %dma_start3A_153 = tpu.memref_slice %arg6[%select_n3A, %add3A_143, %dma_start3A_152] : memref<4x50176x256xf32, #tpu.memory_space<hbm>> -> memref<1x64x256xf32, #tpu.memory_space<hbm>>
      %dma_start3A_154 = tpu.memref_squeeze %dma_start3A_153 : memref<1x64x256xf32, #tpu.memory_space<hbm>> -> memref<64x256xf32, #tpu.memory_space<hbm>>
      %dma_start3A_155 = arith.constant 0 : i32
      %dma_start3A_156 = arith.constant 0 : i32
      %dma_start3A_157 = tpu.memref_slice %arg11[%dma_start3A_144, %dma_start3A_155, %dma_start3A_156] : memref<2x64x256xf32, #tpu.memory_space<vmem>> -> memref<1x64x256xf32, #tpu.memory_space<vmem>>
      %dma_start3A_158 = tpu.memref_squeeze %dma_start3A_157 : memref<1x64x256xf32, #tpu.memory_space<vmem>> -> memref<64x256xf32, #tpu.memory_space<vmem>>
      tpu.enqueue_dma source(%dma_start3A_158 : memref<64x256xf32, #tpu.memory_space<vmem>>) target(%dma_start3A_154 : memref<64x256xf32, #tpu.memory_space<hbm>>) target_semaphore(%arg13 : memref<!tpu.dma_semaphore, #tpu.memory_space<semaphore_mem>>)
      %scan3A_159 = arith.constant 0 : i32
      scf.yield %scan3A_159 : i32
    }
    %scan3A_68 = arith.constant 49 : i32
    %add3A_69 = arith.constant 0 : i32
    %add3A_70 = arith.addi %mul3A_32, %add3A_69 : i32
    %dma_wait3A = arith.constant 0 : i32
    %dma_wait3A_71 = arith.constant 0 : i32
    %dma_wait3A_72 = arith.constant 0 : i32
    %dma_wait3A_73 = tpu.memref_slice %arg11[%dma_wait3A, %dma_wait3A_71, %dma_wait3A_72] : memref<2x64x256xf32, #tpu.memory_space<vmem>> -> memref<1x64x256xf32, #tpu.memory_space<vmem>>
    %dma_wait3A_74 = tpu.memref_squeeze %dma_wait3A_73 : memref<1x64x256xf32, #tpu.memory_space<vmem>> -> memref<64x256xf32, #tpu.memory_space<vmem>>
    %dma_wait3A_75 = arith.constant 0 : i32
    %dma_wait3A_76 = tpu.memref_slice %arg6[%select_n3A, %add3A_70, %dma_wait3A_75] : memref<4x50176x256xf32, #tpu.memory_space<hbm>> -> memref<1x64x256xf32, #tpu.memory_space<hbm>>
    %dma_wait3A_77 = tpu.memref_squeeze %dma_wait3A_76 : memref<1x64x256xf32, #tpu.memory_space<hbm>> -> memref<64x256xf32, #tpu.memory_space<hbm>>
    %dma_wait3A_78 = arith.constant 0 : i32
    %dma_wait3A_79 = tpu.memref_slice %arg6[%select_n3A, %add3A_70, %dma_wait3A_78] : memref<4x50176x256xf32, #tpu.memory_space<hbm>> -> memref<1x64x256xf32, #tpu.memory_space<hbm>>
    %dma_wait3A_80 = tpu.memref_squeeze %dma_wait3A_79 : memref<1x64x256xf32, #tpu.memory_space<hbm>> -> memref<64x256xf32, #tpu.memory_space<hbm>>
    %dma_wait3A_81 = arith.constant 0 : i32
    %dma_wait3A_82 = arith.constant 0 : i32
    %dma_wait3A_83 = tpu.memref_slice %arg11[%dma_wait3A, %dma_wait3A_81, %dma_wait3A_82] : memref<2x64x256xf32, #tpu.memory_space<vmem>> -> memref<1x64x256xf32, #tpu.memory_space<vmem>>
    %dma_wait3A_84 = tpu.memref_squeeze %dma_wait3A_83 : memref<1x64x256xf32, #tpu.memory_space<vmem>> -> memref<64x256xf32, #tpu.memory_space<vmem>>
    tpu.wait_dma2 semaphore(%arg12 : memref<!tpu.dma_semaphore, #tpu.memory_space<semaphore_mem>>) src(%dma_wait3A_84 : memref<64x256xf32, #tpu.memory_space<vmem>>) dst(%dma_wait3A_80 : memref<64x256xf32, #tpu.memory_space<hbm>>)
    %add3A_85 = arith.constant 0 : i32
    %add3A_86 = arith.addi %mul3A_32, %add3A_85 : i32
    %dma_wait3A_87 = arith.constant 1 : i32
    %dma_wait3A_88 = arith.constant 0 : i32
    %dma_wait3A_89 = arith.constant 0 : i32
    %dma_wait3A_90 = tpu.memref_slice %arg11[%dma_wait3A_87, %dma_wait3A_88, %dma_wait3A_89] : memref<2x64x256xf32, #tpu.memory_space<vmem>> -> memref<1x64x256xf32, #tpu.memory_space<vmem>>
    %dma_wait3A_91 = tpu.memref_squeeze %dma_wait3A_90 : memref<1x64x256xf32, #tpu.memory_space<vmem>> -> memref<64x256xf32, #tpu.memory_space<vmem>>
    %dma_wait3A_92 = arith.constant 0 : i32
    %dma_wait3A_93 = tpu.memref_slice %arg6[%select_n3A, %add3A_86, %dma_wait3A_92] : memref<4x50176x256xf32, #tpu.memory_space<hbm>> -> memref<1x64x256xf32, #tpu.memory_space<hbm>>
    %dma_wait3A_94 = tpu.memref_squeeze %dma_wait3A_93 : memref<1x64x256xf32, #tpu.memory_space<hbm>> -> memref<64x256xf32, #tpu.memory_space<hbm>>
    %dma_wait3A_95 = arith.constant 0 : i32
    %dma_wait3A_96 = tpu.memref_slice %arg6[%select_n3A, %add3A_86, %dma_wait3A_95] : memref<4x50176x256xf32, #tpu.memory_space<hbm>> -> memref<1x64x256xf32, #tpu.memory_space<hbm>>
    %dma_wait3A_97 = tpu.memref_squeeze %dma_wait3A_96 : memref<1x64x256xf32, #tpu.memory_space<hbm>> -> memref<64x256xf32, #tpu.memory_space<hbm>>
    %dma_wait3A_98 = arith.constant 0 : i32
    %dma_wait3A_99 = arith.constant 0 : i32
    %dma_wait3A_100 = tpu.memref_slice %arg11[%dma_wait3A_87, %dma_wait3A_98, %dma_wait3A_99] : memref<2x64x256xf32, #tpu.memory_space<vmem>> -> memref<1x64x256xf32, #tpu.memory_space<vmem>>
    %dma_wait3A_101 = tpu.memref_squeeze %dma_wait3A_100 : memref<1x64x256xf32, #tpu.memory_space<vmem>> -> memref<64x256xf32, #tpu.memory_space<vmem>>
    tpu.wait_dma2 semaphore(%arg13 : memref<!tpu.dma_semaphore, #tpu.memory_space<semaphore_mem>>) src(%dma_wait3A_101 : memref<64x256xf32, #tpu.memory_space<vmem>>) dst(%dma_wait3A_97 : memref<64x256xf32, #tpu.memory_space<hbm>>)
    return
  }
}

</mosaic_0001>

<sc_bundles>
// kernel: _position_embedding_sc.3.cloned.1.call-start
scs
__scs_entry_jumppad:
0x0: {  	(pc) =	sbr.rel $0x88, $3  }
0x1: {  	(tag) =	ssettag $0x0;
	lr =	simm.s32 $0x1  }
0x2: {  	[smem:$0x3F9D] =	sst lr;
	_ =	strace $0xD0000000  }
0x3: {  	_ = 	snop  }
0x4: {  	_ = 	snop  }
0x5: {  	_ = 	snop  }
0x6: {  	_ = 	snop  }
0x7: {  	_ = 	snop  }
__scs_overlays_trampoline_lowered:
0x8: {  	[smem:$0x3FAC] =	sst s0  }
0x9: {  	[smem:$0x3FAD] =	sst s1  }
0xa: {  	[smem:$0x3FAE] =	sst s2  }
0xb: {  	[smem:$0x3FAF] =	sst s3  }
0xc: {  	[smem:$0x3FB0] =	sst s4  }
0xd: {  	[smem:$0x3FB1] =	sst s5  }
0xe: {  	[smem:$0x3FB2] =	sst s6  }
0xf: {  	[smem:$0x3FB3] =	sst s7  }
0x10: {  	[smem:$0x3FB4] =	sst s8  }
0x11: {  	[smem:$0x3FB5] =	sst s9;
	s0 =	simm.s32 @!p0 $0x0  }
0x12: {  	s1 =	sld [smem:$0x3F9B];
	s0 =	simm.s32 @p0 $0x1  }
0x13: {  	[smem:$0x3FB6] =	sst s0;
	s0 =	simm.s32 @!p1 $0x0  }
0x14: {  	s2 =	sld [smem:$0x3F9A];
	s0 =	simm.s32 @p1 $0x1  }
0x15: {  	[smem:$0x3FB7] =	sst s0;
	s0 =	simm.s32 @!p2 $0x0  }
0x16: {  	s3 =	sld [smem:$0x3FDB];
	s0 =	simm.s32 @p2 $0x1  }
0x17: {  	s4 =	simm.s32 $0x1BF5;
	[smem:$0x3FB9] =	sst s0  }
0x18: {  	s0 =	sld [smem:$0x3F9C];
	_ =	swait.ge [sflag:s4], $0x0  }
0x19: {  	s7 =	sld [smem:$0x3F9D]  }
0x1a: {  	s8 =	sadd.s32 $0xFFFFE003, lr  }
0x1b: {  	s9 =	sadd.s32 $0xFFFFFEF7, lr;
	s5 =	simm.s32 $0xFFFFFFFF;
	p2 =	slt.u32 s8, $0xFFFFF086  }
0x1c: {  	p1 =	slt.u32 s9, $0xF7A;
	s5 =	simm.s32 @!p2 $0x0  }
0x1d: {  	s5 =	simm.s32 @p1 $0x1;
	p0 =	seq.s32 s7, s2  }
0x1e: {  	s7 =	smul.u32 @!p0 $0xF7A, s2;
	p2 =	seq.s32 @!p0 s5, $0x0  }
0x1f: {  	s9 =	smul.u32 $0xF7A, s1;
	s8 =	simm.s32 @!p0 $0x1BF5;
	p2 =	por !p2, p0  }
0x20: {  	[sflag:s8] =	ssyncset.s32 @!p0 $0xFFFFF086;
	s6 =	sadd.s32 @!p0 s3, s7;
	s7 =	simm.s32 @!p0 $0x108  }
0x21: {  	s3 =	sadd.s32 s3, s9;
	s6 =	sadd.s32 @!p0 $0x88, s6;
	s7 =	simm.s32 @p2 $0x1082  }
0x22: {  	[simem:s7], [sflag:s8] =	dma.local @!p0 [hbm:s6], $0xF7A  }
0x23: {  	s9 =	sor.u32 $0xD0000000, s2;
	s6 =	simm.s32 $0x108;
	_ =	swait.ge @!p0 [sflag:s8], $0x0  }
0x24: {  	s3 =	sadd.s32 $0x88, s3;
	s6 =	simm.s32 @!p1 $0x1082;
	[sflag:s4] =	ssyncset.s32 $0xFFFFF086  }
0x25: {  	[simem:s6], [sflag:s4] =	dma.local [hbm:s3], $0xF7A  }
0x26: {  	[smem:$0x3F9D] =	sst s1;
	(tag) =	ssettag s2;
	_ =	strace s9  }
0x27: {  	s1 =	sld [smem:$0x3FAD]  }
0x28: {  	s2 =	sld [smem:$0x3FAE]  }
0x29: {  	s4 =	sld [smem:$0x3FB0]  }
0x2a: {  	p0 =	seq.s32 s5, $0x0;
	s5 =	sld [smem:$0x3FB1]  }
0x2b: {  	s6 =	sld [smem:$0x3FB2]  }
0x2c: {  	s7 =	sld [smem:$0x3FB3]  }
0x2d: {  	s3 =	simm.s32 $0x108;
	s8 =	sld [smem:$0x3FB4]  }
0x2e: {  	s3 =	simm.s32 @!p0 $0x1082;
	s9 =	sld [smem:$0x3FB5]  }
0x2f: {  	lr =	sadd.s32 s0, s3;
	s0 =	sld [smem:$0x3FAC]  }
0x30: {  	s3 =	sld [smem:$0x3FAF]  }
0x31: {  	[smem:$0x3FB8] =	sst s10  }
0x32: {  	s10 =	sld [smem:$0x3FB6];
	_ =	sdelay $0x3  }
0x33: {  	p0 =	seq.s32 s10, $0x1;
	s10 =	sld [smem:$0x3FB8];
	_ =	sdelay $0x3  }
0x34: {  	[smem:$0x3FB8] =	sst s10  }
0x35: {  	s10 =	sld [smem:$0x3FB7];
	_ =	sdelay $0x3  }
0x36: {  	p1 =	seq.s32 s10, $0x1;
	s10 =	sld [smem:$0x3FB8];
	_ =	sdelay $0x3  }
0x37: {  	[smem:$0x3FB8] =	sst s10  }
0x38: {  	s10 =	sld [smem:$0x3FB9]  }
0x39: {  	_ = 	snop;
	(pc) =	sbr.ind lr, $3  }
0x3a: {  	_ = 	snop  }
0x3b: {  	_ = 	snop  }
0x3c: {  	p2 =	seq.s32 s10, $0x1;
	s10 =	sld [smem:$0x3FB8]  }
0x3d: {  	_ =	shalt  }
0x3e: {  	_ =	shalt  }
0x3f: {  	_ =	shalt  }
0x40: {  	_ =	shalt  }
0x41: {  	_ =	shalt  }
0x42: {  	_ =	shalt  }
0x43: {  	_ =	shalt  }
0x44: {  	_ =	shalt  }
0x45: {  	_ =	shalt  }
0x46: {  	_ =	shalt  }
0x47: {  	_ =	shalt  }
0x48: {  	_ =	shalt  }
0x49: {  	_ =	shalt  }
0x4a: {  	_ =	shalt  }
0x4b: {  	_ =	shalt  }
0x4c: {  	_ =	shalt  }
0x4d: {  	_ =	shalt  }
0x4e: {  	_ =	shalt  }
0x4f: {  	_ =	shalt  }
0x50: {  	_ =	shalt  }
0x51: {  	_ =	shalt  }
0x52: {  	_ =	shalt  }
0x53: {  	_ =	shalt  }
0x54: {  	_ =	shalt  }
0x55: {  	_ =	shalt  }
0x56: {  	_ =	shalt  }
0x57: {  	_ =	shalt  }
0x58: {  	_ =	shalt  }
0x59: {  	_ =	shalt  }
0x5a: {  	_ =	shalt  }
0x5b: {  	_ =	shalt  }
0x5c: {  	_ =	shalt  }
0x5d: {  	_ =	shalt  }
0x5e: {  	_ =	shalt  }
0x5f: {  	_ =	shalt  }
0x60: {  	_ =	shalt  }
0x61: {  	_ =	shalt  }
0x62: {  	_ =	shalt  }
0x63: {  	_ =	shalt  }
0x64: {  	_ =	shalt  }
0x65: {  	_ =	shalt  }
0x66: {  	_ =	shalt  }
0x67: {  	_ =	shalt  }
0x68: {  	_ =	shalt  }
0x69: {  	_ =	shalt  }
0x6a: {  	_ =	shalt  }
0x6b: {  	_ =	shalt  }
0x6c: {  	_ =	shalt  }
0x6d: {  	_ =	shalt  }
0x6e: {  	_ =	shalt  }
0x6f: {  	_ =	shalt  }
0x70: {  	_ =	shalt  }
0x71: {  	_ =	shalt  }
0x72: {  	_ =	shalt  }
0x73: {  	_ =	shalt  }
0x74: {  	_ =	shalt  }
0x75: {  	_ =	shalt  }
0x76: {  	_ =	shalt  }
0x77: {  	_ =	shalt  }
0x78: {  	_ =	shalt  }
0x79: {  	_ =	shalt  }
0x7a: {  	_ =	shalt  }
0x7b: {  	_ =	shalt  }
0x7c: {  	_ =	shalt  }
0x7d: {  	_ =	shalt  }
0x7e: {  	_ =	shalt  }
0x7f: {  	_ =	shalt  }
0x80: {  	_ =	shalt  }
0x81: {  	_ =	shalt  }
0x82: {  	_ =	shalt  }
0x83: {  	_ =	shalt  }
0x84: {  	_ =	shalt  }
0x85: {  	_ =	shalt  }
0x86: {  	_ =	shalt  }
0x87: {  	_ =	shalt  }
.Lfunc_end0:
.L_simem_size_0:
called_computation_lowered:
.L_overlay_start_0:
0x88: {  	s2 =	sld [smem:$0x3FD9]  }
0x89: {  	s3 =	sld [smem:$0x3FFE];
	_ =	sdelay $0x1  }
0x8a: {  	s1 =	srdreg.scid  }
0x8b: {  	s0 =	sand.u32 $0x1, s1  }
0x8c: {  	s17 =	sshll.u32 s0, $0xA;
	s2 =	sadd.s32 s3, s2  }
0x8d: {  	s2 =	sadd.s32 s2, s17  }
0x8e: {  	[smem:$0x3FC4] =	sst s2  }
0x8f: {  	_ = 	snop  }
0x90: {  	s2 =	sld [smem:$0x3FC7]  }
0x91: {  	s18 =	sld [smem:$0x3FC6]  }
0x92: {  	s4 =	sld [smem:$0x3FD0];
	(tm) =	ssettm $0x1  }
0x93: {  	s5 =	sld [smem:$0x3FFB];
	_ =	sdelay $0x3  }
0x94: {  	_ =	strace s5  }
0x95: {  	s5 =	sld [smem:$0x3FFC];
	_ =	sdelay $0x3  }
0x96: {  	_ =	strace s5  }
0x97: {  	s5 =	sld [smem:$0x3FFD];
	_ =	sdelay $0x3  }
0x98: {  	_ =	strace s5  }
0x99: {  	_ =	strace $0x8FFFFFFF  }
0x9a: {  	s19 =	sld [smem:$0x3FDB];
	_ =	sdelay $0x1  }
0x9b: {  	s6 =	simm.s32 $_scs_section_size  }
0x9c: {  	s7 =	simm.s32 $_size__tile_overlayer_lowered;
	s8 =	simm.s32 $_tile_overlayer_lowered  }
0x9d: {  	s22 =	simm.s32 $0x1BFF;
	s21 =	sshll.u32 s8, $0x1;
	s5 =	sadd.s32 s6, s19  }
0x9e: {  	s9 =	simm.s32 $0x0;
	s20 =	sshll.u32 s7, $0x1;
	s7 =	sadd.s32 s21, s5  }
0x9f: {  	[timem:s9], [sflag:s22] =	dma.local [hbm:s7], s20  }
0xa0: {  	_ =	swait.ge [sflag:s22], s20  }
0xa1: {  	s6 =	ssub.s32 $0x0, s20;
	[sflag:s22] =	ssyncset.done $0x0  }
0xa2: {  	[sflag:s22] =	ssyncadd.s32 s6;
	_ =	sdelay $0x1  }
0xa3: {  	s23 =	simm.s32 $0x1B8B  }
0xa4: {  	_ =	swait.ge [sflag:s23], $0x1  }
0xa5: {  	[sflag:s23] =	ssyncset.done $0x0  }
0xa6: {  	s25 =	simm.s32 $0x1B8E;
	s24 =	sld [smem:$0x3FFE];
	[sflag:s23] =	ssyncadd.s32 $0xFFFFFFFF  }
0xa7: {  	s26 =	simm.s32 $execute0_lowered;
	[smem:$0x3FD2] =	sst s25  }
0xa8: {  	s7 =	sshll.u32 s26, $0x1;
	_ =	strace $0x80000046;
	[dreg:$0x1] =	wrdreg $0xFFFFFFFF  }
0xa9: {  	s28 =	simm.s32 $_size_execute0_lowered;
	s5 =	sadd.s32 s5, s7;
	[dreg:$0x0] =	wrdreg $0x0  }
0xaa: {  	s7 =	sshll.u32 s28, $0x1;
	[dreg:$0x2] =	wrdreg s5  }
0xab: {  	[dreg:$0x3] =	wrdreg s7  }
0xac: {  	[dreg:$0x4] =	wrdreg $0xC0  }
0xad: {  	_ =	task [dreg:s9], $0x5FFFF  }
0xae: {  	[dreg:$0x1] =	wrdreg $0xFFFFFFFF  }
0xaf: {  	[dreg:$0x0] =	wrdreg $0x60  }
0xb0: {  	[dreg:$0x2] =	wrdreg s24  }
0xb1: {  	[dreg:$0x3] =	wrdreg s2  }
0xb2: {  	[dreg:$0x4] =	wrdreg s18  }
0xb3: {  	[dreg:$0x5] =	wrdreg s4  }
0xb4: {  	[dreg:$0x6] =	wrdreg $0x9  }
0xb5: {  	_ =	task.clear_ibuf [dreg:s9], $0x7FFFF;
	_ =	strace $0x90000046  }
0xb6: {  	s29 =	simm.s32 $0x9;
	_ =	strace $0x80000048  }
0xb7: {  	_ =	swait.ge [sflag:s29], $0x1  }
0xb8: {  	[sflag:s29] =	ssyncadd.s32 $0xFFFFFFFF  }
0xb9: {  	_ =	strace $0x90000048  }
0xba: {  	_ =	sfence  }
0xbb: {  	s30 =	sld [smem:$0x0];
	_ =	sdelay $0x2  }
0xbc: {  	s31 =	sshll.u32 s1, $0xD;
	s1 =	sshrl.u32 s1, $0x2  }
0xbd: {  	s3 =	sand.u32 $0x4000, s31;
	s1 =	sadd.s32 s1, s30  }
0xbe: {  	s0 =	sor.u32 s3, s0;
	s1 =	sshll.u32 s1, $0x11  }
0xbf: {  	s0 =	sor.u32 s1, s0  }
0xc0: {  	s0 =	sadd.s32 $0x8F2B, s0  }
0xc1: {  	[sflag:s0] =	ssyncadd.remote.s32 $0x1  }
0xc2: {  	_ =	sfence.sel $0xFFFF  }
0xc3: {  	[dreg:$0x0] =	wrdreg $0xFFFFFFFF;
	(pc) =	sbr.abs _section_cstart, $3  }
0xc4: {  	[dreg:$0x1] =	wrdreg $0xFFFFFFFF  }
0xc5: {  	_ =	task.clear_ibuf [dreg:s9], $0x2FFFF;
	_ =	strace $0x9FFFFFFF  }
0xc6: {  	(tm) =	ssettm $0x7FFFFFFF  }
0xc7: {  	_ =	shalt  }
tec
execute0_lowered:
.L_overlay_start_1:
0x0: {  	(tag) =	ssettag $0x1  }
0x1: {  	s3 =	stileid.u32  }
0x2: {  	s0 =	rddreg [dreg:$0x0];
	s1 =	srdreg.scid;
	s2 =	sshll.u32 s3, $0x1  }
0x3: {  	s1 =	sand.u32 $0x1, s1;
	s3 =	sshrl.u32 s3, $0x2;
	s2 =	sand.u32 $0x6, s2  }
0x4: {  	s4 =	rddreg [dreg:$0x3];
	s6 =	smul.u32 $0xC400, s3;
	s2 =	sor.u32 s1, s2  }
0x5: {  	s5 =	simm.s32 $0x0;
	s1 =	ssub.s32 $0x2, s1;
	s7 =	smul.u32 $0x1880, s2  }
0x6: {  	[smem:$0x7FF] =	sst s5;
	s3 =	smul.u32 $0xC40000, s3;
	s29 =	sshrl.u32 s1, $0x1  }
0x7: {  	s2 =	smul.u32 $0x188000, s2;
	s1 =	ssub.s32 s1, s29;
	s6 =	sadd.s32 s6, s7  }
0x8: {  	_ =	strace $0x80000047;
	s31 =	smax.u32 s1, $0x1;
	s6 =	sshrl.u32 s6, $0x3  }
0x9: {  	v0 =	vlaneseq.u32;
	s8 =	sadd.s32 s3, s2;
	[dreg:$0x8] =	wrdreg s31;
	s0 =	sadd.s32 s6, s0  }
0xa: {  	s11 =	simm.s32 $0x7000;
	v1 =	vor.u32 $0x10, v0;
	[dreg:$0x7] =	wrdreg s8;
	s30 =	sadd.s32 $0x400, s0  }
0xb: {  	s12 =	simm.s32 $0xE000;
	v2 =	vor.u32 $0x20, v0;
	v3 =	vor.u32 $0x30, v0;
	v4 =	vor.u32 $0x40, v0;
	s0 =	sadd.s32 $0x6600, s0;
	[dreg:$0x5] =	wrdreg s30  }
0xc: {  	s13 =	simm.s32 $0xF880;
	v5 =	vor.u32 $0x50, v0;
	v6 =	vor.u32 $0x60, v0;
	v7 =	vor.u32 $0x70, v0;
	s2 =	simm.s32 $0x0;
	[dreg:$0x6] =	wrdreg s0  }
.LBB2_1:
0xd: {  	[dreg:$0x9] =	wrdreg s2  }
0xe: {  	s0 =	rddreg [dreg:$0x1];
	s1 =	simm.s32 $0x3  }
0xf: {  	[tilespmem:s5], [sflag:$0x3] =	stream.linear.gather [hbm4b:s0+s5], $0x7000, $0x38;
	[tilespmem:$0x19100] =	vst v63  }
0x10: {  	_ =	swait.ge [sflag:s1], $0x7000  }
0x11: {  	[sflag:s1] =	ssyncset.done $0x0  }
0x12: {  	[sflag:s1] =	ssyncadd.s32 $0xFFFF9000  }
0x13: {  	s29 =	rddreg [dreg:$0x2]  }
0x14: {  	[tilespmem:s11], [sflag:$0x3] =	stream.linear.gather [hbm4b:s29+s5], $0x7000, $0x38;
	[tilespmem:$0x19100] =	vst v63  }
0x15: {  	_ =	swait.ge [sflag:s1], $0x7000  }
0x16: {  	[sflag:s1] =	ssyncset.done $0x0  }
0x17: {  	s30 =	rddreg [dreg:$0x5];
	[sflag:s1] =	ssyncadd.s32 $0xFFFF9000  }
0x18: {  	[tilespmem:s12], [sflag:$0x3] =	stream.linear.gather [hbm4b:s30+s5], $0x1880, $0x38;
	[tilespmem:$0x19100] =	vst v63  }
0x19: {  	_ =	swait.ge [sflag:s1], $0x1880  }
0x1a: {  	[sflag:s1] =	ssyncset.done $0x0  }
0x1b: {  	s31 =	rddreg [dreg:$0x6];
	[sflag:s1] =	ssyncadd.s32 $0xFFFFE780  }
0x1c: {  	[tilespmem:s13], [sflag:$0x3] =	stream.linear.gather [hbm4b:s31+s5], $0x1880, $0x38;
	[tilespmem:$0x19100] =	vst v63  }
0x1d: {  	_ =	swait.ge [sflag:s1], $0x1880  }
0x1e: {  	[sflag:s1] =	ssyncset.done $0x0  }
0x1f: {  	s19 =	simm.s32 $0x0;
	s20 =	simm.s32 $0x0;
	[sflag:s1] =	ssyncadd.s32 $0xFFFFE780  }
.LBB2_2:
0x20: {  	s0 =	sadd.s32 $0xFFFFFFFC, s19  }
0x21: {  	s1 =	sadd.s32 $0x5, s0  }
0x22: {  	v8 =	vmov s1  }
0x23: {  	s25 =	sadd.s32 $0x6, s0;
	v8 =	vand.u32 $0xFFFFFFFD, v8  }
0x24: {  	v9 =	vmov s25;
	v8 =	vbroadcast v8, $0x0  }
0x25: {  	p0 =	seq.s32 s20, $0x0;
	v9 =	vand.u32 $0xFFFFFFFE, v9  }
0x26: {  	s2 =	sadd.s32 $0x4, s0;
	s1 =	simm.s32 @!p0 $0x1;
	v9 =	vbroadcast v9, $0x0  }
0x27: {  	v10 =	vmov s2;
	_ =	swait.ge @!p0 [sflag:s1], $0x4000  }
0x28: {  	v10 =	vand.u32 $0xFFFFFFFC, v10;
	[sflag:s1] =	ssyncset.done @!p0 $0x0  }
0x29: {  	v10 =	vbroadcast v10, $0x0;
	[sflag:s1] =	ssyncadd.s32 @!p0 $0xFFFFC000  }
0x2a: {  	v11 =	vld.idx.msk [tilespmem:v8+s12+$0x0], $0xffff  }
0x2b: {  	s0 =	sadd.s32 $0x7, s0  }
0x2c: {  	v12 =	vmov s0;
	v13 =	vld.idx.msk [tilespmem:v9+s12+$0x0], $0xffff;
	_ =	sdelay $0x2  }
0x2d: {  	v14 =	vld.idx.msk [tilespmem:v10+s12+$0x0], $0xffff;
	v23 =	vshll.u32 v11, $0x7  }
0x2e: {  	v8 =	vld.idx.msk [tilespmem:v8+s13+$0x0], $0xffff;
	v11 =	vor.u32 v0, v23  }
0x2f: {  	v15 =	vld.idx.msk [tilespmem:v12+s12+$0x0], $0xffff;
	v19 =	vshll.u32 v13, $0x7  }
0x30: {  	v9 =	vld.idx.msk [tilespmem:v9+s13+$0x0], $0xffff;
	v13 =	vor.u32 v0, v19;
	_ =	sdelay $0x1  }
0x31: {  	v10 =	vld.idx.msk [tilespmem:v10+s13+$0x0], $0xffff;
	v17 =	vshll.u32 v14, $0x7  }
0x32: {  	v22 =	vshll.u32 v8, $0x7;
	v14 =	vor.u32 v0, v17;
	v11 =	vld.idx.msk [tilespmem:v11+s5+$0x0], $0xffff  }
0x33: {  	s26 =	simm.s32 $0x0;
	v21 =	vshll.u32 v15, $0x7;
	v8 =	vld.idx.msk [tilespmem:v12+s13+$0x0], $0xffff;
	v12 =	vor.u32 v0, v22  }
0x34: {  	s7 =	simm.s32 $0x80;
	s6 =	sand.u32 $0x3800, s26;
	v16 =	vshll.u32 v9, $0x7;
	v9 =	vld.idx.msk [tilespmem:v13+s5+$0x0], $0xffff;
	v13 =	vor.u32 v0, v21  }
0x35: {  	s2 =	sand.u32 $0x280, s7;
	s1 =	sadd.s32 $0x11100, s6;
	v15 =	vor.u32 v0, v16  }
0x36: {  	s9 =	simm.s32 $0x100;
	s10 =	sor.u32 s2, s1  }
0x37: {  	s2 =	sand.u32 $0x300, s9;
	v18 =	vshll.u32 v10, $0x7;
	v14 =	vld.idx.msk [tilespmem:v14+s5+$0x0], $0xffff;
	[tilespmem:s10+$0x0] =	vst v11  }
0x38: {  	s3 =	simm.s32 $0x180;
	s14 =	sand.u32 $0x7, s26;
	s23 =	sadd.s32 s2, s1;
	v10 =	vor.u32 v0, v18;
	v11 =	vld.idx.msk [tilespmem:v12+s11+$0x0], $0xffff  }
0x39: {  	p1 =	por $0x0, $0x0;
	s6 =	simm.s32 $0x0;
	s2 =	sshll.u32 s14, $0x7;
	v20 =	vshll.u32 v8, $0x7;
	v8 =	vor.u32 v1, v23;
	[tilespmem:s23+$0x0] =	vst v9;
	v9 =	vld.idx.msk [tilespmem:v13+s5+$0x0], $0xffff  }
0x3a: {  	s0 =	sand.u32 $0x3, s26;
	s6 =	sand.u32 $0x200, s6;
	s2 =	sadd.s32 $0x0, s2;
	v12 =	vor.u32 v0, v20;
	v13 =	vld.idx.msk [tilespmem:v15+s11+$0x0], $0xffff  }
0x3b: {  	s0 =	sshll.u32 s0, $0x8;
	s21 =	sor.u32 s6, s1;
	s14 =	sadd.s32 $0x80, s2;
	v15 =	vor.u32 v1, v19  }
0x3c: {  	s3 =	sand.u32 $0x380, s3;
	s0 =	sadd.s32 $0x0, s0;
	s15 =	sor.u32 $0x400, s14;
	[tilespmem:s21+$0x0] =	vst v14  }
0x3d: {  	s7 =	simm.s32 $0x1;
	s22 =	sadd.s32 $0x100, s0;
	s25 =	sadd.s32 s3, s1;
	v10 =	vld.idx.msk [tilespmem:v10+s11+$0x0], $0xffff;
	[tilespmem:s15+$0x11100] =	vst v11  }
0x3e: {  	s7 =	simm.s32 @!p1 $0x0;
	s0 =	sor.u32 $0x400, s22;
	[tilespmem:s25+$0x0] =	vst v9;
	v11 =	vor.u32 v1, v17;
	v8 =	vld.idx.msk [tilespmem:v8+s5+$0x0], $0xffff  }
0x3f: {  	s16 =	sshll.u32 s7, $0x9;
	v9 =	vld.idx.msk [tilespmem:v12+s11+$0x0], $0xffff;
	v12 =	vor.u32 v1, v22;
	[tilespmem:s0+$0x11100] =	vst v13  }
0x40: {  	s15 =	sadd.s32 $0x0, s16;
	v13 =	vor.u32 v1, v21;
	v14 =	vld.idx.msk [tilespmem:v15+s5+$0x0], $0xffff  }
0x41: {  	s17 =	sor.u32 $0x400, s15;
	v15 =	vor.u32 v1, v16  }
0x42: {  	s24 =	sadd.s32 $0x180, s2;
	[tilespmem:s17+$0x11100] =	vst v10  }
0x43: {  	s18 =	sor.u32 $0x400, s24;
	v10 =	vld.idx.msk [tilespmem:v11+s5+$0x0], $0xffff;
	[tilespmem:s10+$0x10] =	vst v8  }
0x44: {  	[tilespmem:s18+$0x11100] =	vst v9;
	v8 =	vor.u32 v1, v18;
	v9 =	vld.idx.msk [tilespmem:v12+s11+$0x0], $0xffff  }
0x45: {  	v11 =	vld.idx.msk [tilespmem:v13+s5+$0x0], $0xffff;
	[tilespmem:s23+$0x10] =	vst v14;
	v12 =	vor.u32 v2, v23  }
0x46: {  	v13 =	vor.u32 v1, v20;
	v14 =	vld.idx.msk [tilespmem:v15+s11+$0x0], $0xffff  }
0x47: {  	v15 =	vor.u32 v2, v19  }
0x48: {  	s26 =	sor.u32 $0x410, s14;
	[tilespmem:s21+$0x10] =	vst v10  }
0x49: {  	v8 =	vld.idx.msk [tilespmem:v8+s11+$0x0], $0xffff;
	[tilespmem:s26+$0x11100] =	vst v9  }
0x4a: {  	s1 =	sor.u32 $0x410, s22;
	[tilespmem:s25+$0x10] =	vst v11;
	v9 =	vor.u32 v2, v17;
	v10 =	vld.idx.msk [tilespmem:v12+s5+$0x0], $0xffff  }
0x4b: {  	v11 =	vld.idx.msk [tilespmem:v13+s11+$0x0], $0xffff;
	[tilespmem:s1+$0x11100] =	vst v14;
	v12 =	vor.u32 v2, v22  }
0x4c: {  	v14 =	vor.u32 v2, v21;
	v13 =	vld.idx.msk [tilespmem:v15+s5+$0x0], $0xffff  }
0x4d: {  	s2 =	sor.u32 $0x410, s15;
	v15 =	vor.u32 v2, v16  }
0x4e: {  	[tilespmem:s2+$0x11100] =	vst v8  }
0x4f: {  	s3 =	sor.u32 $0x410, s24;
	v8 =	vld.idx.msk [tilespmem:v9+s5+$0x0], $0xffff;
	[tilespmem:s10+$0x20] =	vst v10  }
0x50: {  	v9 =	vor.u32 v2, v18;
	[tilespmem:s3+$0x11100] =	vst v11;
	v10 =	vld.idx.msk [tilespmem:v12+s11+$0x0], $0xffff  }
0x51: {  	v11 =	vld.idx.msk [tilespmem:v14+s5+$0x0], $0xffff;
	[tilespmem:s23+$0x20] =	vst v13;
	v12 =	vor.u32 v3, v23  }
0x52: {  	v14 =	vor.u32 v2, v20;
	v13 =	vld.idx.msk [tilespmem:v15+s11+$0x0], $0xffff  }
0x53: {  	v15 =	vor.u32 v3, v19  }
0x54: {  	s6 =	sor.u32 $0x420, s14;
	[tilespmem:s21+$0x20] =	vst v8  }
0x55: {  	v8 =	vld.idx.msk [tilespmem:v9+s11+$0x0], $0xffff;
	[tilespmem:s6+$0x11100] =	vst v10  }
0x56: {  	s7 =	sor.u32 $0x420, s22;
	s9 =	sadd.s32 $0x0, s19;
	v9 =	vor.u32 v3, v17;
	[tilespmem:s25+$0x20] =	vst v11;
	v10 =	vld.idx.msk [tilespmem:v12+s5+$0x0], $0xffff  }
0x57: {  	s16 =	sadd.s32 $0x4, s9;
	v11 =	vor.u32 v3, v22;
	[tilespmem:s7+$0x11100] =	vst v13;
	v12 =	vld.idx.msk [tilespmem:v14+s11+$0x0], $0xffff  }
0x58: {  	s17 =	sadd.s32 $0x5, s9;
	v13 =	vld.idx.msk [tilespmem:v15+s5+$0x0], $0xffff;
	v14 =	vor.u32 v3, v21;
	v15 =	vmov s16  }
0x59: {  	v24 =	vor.u32 v3, v16;
	v25 =	vmov s17;
	s18 =	sor.u32 $0x420, s15;
	s26 =	sadd.s32 $0x7, s9;
	v15 =	vand.u32 $0xFFFFFFFC, v15  }
0x5a: {  	v15 =	vbroadcast v15, $0x0;
	[tilespmem:s18+$0x11100] =	vst v8;
	v8 =	vand.u32 $0xFFFFFFFD, v25;
	v25 =	vmov s26  }
0x5b: {  	s3 =	sadd.s32 $0x6, s9;
	s6 =	sor.u32 $0x420, s24;
	v9 =	vld.idx.msk [tilespmem:v9+s5+$0x0], $0xffff;
	[tilespmem:s10+$0x30] =	vst v10  }
0x5c: {  	v10 =	vbroadcast v8, $0x0;
	v8 =	vmov s3;
	[tilespmem:s6+$0x11100] =	vst v12;
	v11 =	vld.idx.msk [tilespmem:v11+s11+$0x0], $0xffff  }
0x5d: {  	[tilespmem:s23+$0x30] =	vst v13;
	v8 =	vand.u32 $0xFFFFFFFE, v8;
	v12 =	vld.idx.msk [tilespmem:v14+s5+$0x0], $0xffff  }
0x5e: {  	v13 =	vbroadcast v8, $0x0;
	v8 =	vld.idx.msk [tilespmem:v24+s11+$0x0], $0xffff  }
0x5f: {  	v14 =	vor.u32 v4, v23;
	v24 =	vld.idx.msk [tilespmem:v25+s13+$0x0], $0xffff  }
0x60: {  	v26 =	vld.idx.msk [tilespmem:v15+s12+$0x0], $0xffff  }
0x61: {  	v27 =	vor.u32 v4, v19;
	s7 =	sor.u32 $0x430, s14;
	v25 =	vld.idx.msk [tilespmem:v25+s12+$0x0], $0xffff  }
0x62: {  	v15 =	vld.idx.msk [tilespmem:v15+s13+$0x0], $0xffff;
	[tilespmem:s7+$0x11100] =	vst v11;
	v11 =	vor.u32 v3, v20  }
0x63: {  	v28 =	vld.idx.msk [tilespmem:v10+s12+$0x0], $0xffff  }
0x64: {  	s9 =	sor.u32 $0x430, s22;
	[tilespmem:s25+$0x30] =	vst v12;
	v14 =	vld.idx.msk [tilespmem:v14+s5+$0x0], $0xffff  }
0x65: {  	v12 =	vor.u32 v4, v22;
	[tilespmem:s9+$0x11100] =	vst v8;
	v29 =	vld.idx.msk [tilespmem:v13+s12+$0x0], $0xffff  }
0x66: {  	v27 =	vld.idx.msk [tilespmem:v27+s5+$0x0], $0xffff;
	v8 =	vshll.u32 v26, $0x7;
	v26 =	vor.u32 v3, v18  }
0x67: {  	v31 =	vor.u32 v0, v8;
	v30 =	vld.idx.msk [tilespmem:v11+s11+$0x0], $0xffff  }
0x68: {  	v32 =	vor.u32 v4, v16;
	v11 =	vshll.u32 v28, $0x7;
	v28 =	vld.idx.msk [tilespmem:v10+s13+$0x0], $0xffff  }
0x69: {  	v33 =	vor.u32 v0, v11;
	[tilespmem:s10+$0x40] =	vst v14;
	v14 =	vld.idx.msk [tilespmem:v13+s13+$0x0], $0xffff  }
0x6a: {  	[tilespmem:s21+$0x30] =	vst v9;
	v10 =	vshll.u32 v29, $0x7;
	v13 =	vld.idx.msk [tilespmem:v12+s11+$0x0], $0xffff;
	v29 =	vor.u32 v4, v21  }
0x6b: {  	v26 =	vld.idx.msk [tilespmem:v26+s11+$0x0], $0xffff;
	v34 =	vor.u32 v0, v10  }
0x6c: {  	[tilespmem:s23+$0x40] =	vst v27;
	v27 =	vld.idx.msk [tilespmem:v31+s5+$0x0], $0xffff;
	v31 =	vor.u32 v5, v23  }
0x6d: {  	s16 =	sor.u32 $0x430, s24;
	v9 =	vshll.u32 v15, $0x7;
	v15 =	vor.u32 v4, v17;
	v32 =	vld.idx.msk [tilespmem:v32+s11+$0x0], $0xffff  }
0x6e: {  	s31 =	simm.s32 $0x400;
	[tilespmem:s16+$0x11100] =	vst v30;
	v30 =	vor.u32 v0, v9;
	v33 =	vld.idx.msk [tilespmem:v33+s5+$0x0], $0xffff  }
0x6f: {  	s17 =	sand.u32 $0x3800, s31;
	s18 =	simm.s32 $0x200;
	s26 =	sor.u32 $0x440, s14;
	v12 =	vshll.u32 v28, $0x7;
	v28 =	vor.u32 v5, v19;
	v29 =	vld.idx.msk [tilespmem:v29+s5+$0x0], $0xffff  }
0x70: {  	s1 =	sand.u32 $0x200, s18;
	s6 =	sadd.s32 $0x11100, s17;
	s3 =	sor.u32 $0x430, s15;
	v35 =	vor.u32 v0, v12;
	[tilespmem:s26+$0x11100] =	vst v13;
	v34 =	vld.idx.msk [tilespmem:v34+s5+$0x0], $0xffff  }
0x71: {  	s30 =	sor.u32 s1, s6;
	s7 =	simm.s32 $0x280;
	v13 =	vshll.u32 v25, $0x7;
	[tilespmem:s3+$0x11100] =	vst v26;
	v26 =	vor.u32 v4, v20;
	v25 =	vld.idx.msk [tilespmem:v31+s5+$0x0], $0xffff  }
0x72: {  	s9 =	sand.u32 $0x280, s7;
	s16 =	sor.u32 $0x440, s22;
	[tilespmem:s30+$0x0] =	vst v27;
	v27 =	vor.u32 v0, v13;
	v31 =	vld.idx.msk [tilespmem:v15+s5+$0x0], $0xffff  }
0x73: {  	v36 =	vor.u32 v5, v22;
	s17 =	simm.s32 $0x300;
	s26 =	sor.u32 s9, s6;
	[tilespmem:s16+$0x11100] =	vst v32;
	v30 =	vld.idx.msk [tilespmem:v30+s11+$0x0], $0xffff  }
0x74: {  	p1 =	por !p1, !p1;
	v47 =	vor.u32 v4, v18;
	s0 =	sand.u32 $0x300, s17;
	s1 =	simm.s32 $0x1;
	v15 =	vshll.u32 v14, $0x7;
	v28 =	vld.idx.msk [tilespmem:v28+s5+$0x0], $0xffff;
	[tilespmem:s26+$0x0] =	vst v33  }
0x75: {  	s2 =	simm.s32 $0x4;
	s1 =	simm.s32 @!p1 $0x0;
	s0 =	sadd.s32 s0, s6;
	v49 =	vor.u32 v0, v15;
	v35 =	vld.idx.msk [tilespmem:v35+s11+$0x0], $0xffff;
	[tilespmem:s25+$0x40] =	vst v29  }
0x76: {  	s18 =	sand.u32 $0x7, s2;
	s1 =	sshll.u32 s1, $0x9;
	v48 =	vor.u32 v1, v8;
	[tilespmem:s0+$0x0] =	vst v34;
	v26 =	vld.idx.msk [tilespmem:v26+s11+$0x0], $0xffff  }
0x77: {  	s28 =	sadd.s32 $0x400, s1;
	s3 =	sshll.u32 s18, $0x7;
	v29 =	vor.u32 v5, v16;
	v27 =	vld.idx.msk [tilespmem:v27+s5+$0x0], $0xffff;
	[tilespmem:s10+$0x50] =	vst v25  }
0x78: {  	s1 =	sor.u32 $0x400, s28;
	s17 =	sadd.s32 $0x400, s3;
	v14 =	vshll.u32 v24, $0x7;
	[tilespmem:s21+$0x40] =	vst v31;
	v25 =	vor.u32 v5, v21;
	v24 =	vld.idx.msk [tilespmem:v36+s11+$0x0], $0xffff  }
0x79: {  	s29 =	sadd.s32 $0x80, s17;
	v31 =	vld.idx.msk [tilespmem:v47+s11+$0x0], $0xffff;
	[tilespmem:s1+$0x11100] =	vst v30;
	v30 =	vor.u32 v0, v14  }
0x7a: {  	v51 =	vor.u32 v6, v23;
	s7 =	sor.u32 $0x400, s29;
	v34 =	vld.idx.msk [tilespmem:v49+s11+$0x0], $0xffff;
	s1 =	simm.s32 $0x380;
	[tilespmem:s23+$0x50] =	vst v28  }
0x7b: {  	s18 =	sor.u32 $0x440, s24;
	v28 =	vor.u32 v1, v11;
	v50 =	vld.idx.msk [tilespmem:v48+s5+$0x0], $0xffff;
	s9 =	sand.u32 $0x380, s1;
	[tilespmem:s7+$0x11100] =	vst v35  }
0x7c: {  	v52 =	vor.u32 v5, v17;
	s3 =	simm.s32 $0x2;
	v29 =	vld.idx.msk [tilespmem:v29+s11+$0x0], $0xffff;
	s9 =	sadd.s32 s9, s6;
	[tilespmem:s18+$0x11100] =	vst v26  }
0x7d: {  	s16 =	sand.u32 $0x3, s3;
	v26 =	vor.u32 v1, v9;
	[tilespmem:s9+$0x0] =	vst v27;
	s18 =	sor.u32 $0x450, s14;
	v25 =	vld.idx.msk [tilespmem:v25+s5+$0x0], $0xffff  }
0x7e: {  	s6 =	sshll.u32 s16, $0x8;
	s16 =	sor.u32 $0x440, s15;
	v27 =	vor.u32 v1, v10;
	[tilespmem:s18+$0x11100] =	vst v24;
	v30 =	vld.idx.msk [tilespmem:v30+s11+$0x0], $0xffff  }
0x7f: {  	s6 =	sadd.s32 $0x400, s6;
	[tilespmem:s16+$0x11100] =	vst v31;
	v31 =	vor.u32 v5, v20;
	v24 =	vld.idx.msk [tilespmem:v51+s5+$0x0], $0xffff  }
0x80: {  	v53 =	vor.u32 v1, v13;
	s7 =	sadd.s32 $0x100, s6;
	s18 =	sor.u32 $0x450, s22;
	v28 =	vld.idx.msk [tilespmem:v28+s5+$0x0], $0xffff;
	[tilespmem:s30+$0x10] =	vst v50  }
0x81: {  	v54 =	vor.u32 v6, v22;
	s16 =	sor.u32 $0x400, s7;
	[tilespmem:s18+$0x11100] =	vst v29;
	v29 =	vld.idx.msk [tilespmem:v52+s5+$0x0], $0xffff  }
0x82: {  	v55 =	vor.u32 v1, v12;
	s6 =	sadd.s32 $0x180, s17;
	[tilespmem:s16+$0x11100] =	vst v34;
	v26 =	vld.idx.msk [tilespmem:v26+s11+$0x0], $0xffff  }
0x83: {  	v56 =	vor.u32 v5, v18;
	s17 =	sor.u32 $0x400, s6;
	v27 =	vld.idx.msk [tilespmem:v27+s5+$0x0], $0xffff;
	[tilespmem:s25+$0x50] =	vst v25  }
0x84: {  	v25 =	vor.u32 v2, v8;
	[tilespmem:s17+$0x11100] =	vst v30;
	v30 =	vld.idx.msk [tilespmem:v31+s11+$0x0], $0xffff  }
0x85: {  	v31 =	vor.u32 v1, v15;
	[tilespmem:s10+$0x60] =	vst v24;
	v32 =	vld.idx.msk [tilespmem:v53+s5+$0x0], $0xffff  }
0x86: {  	[tilespmem:s26+$0x10] =	vst v28;
	v28 =	vor.u32 v6, v19;
	v24 =	vld.idx.msk [tilespmem:v54+s11+$0x0], $0xffff  }
0x87: {  	s16 =	sor.u32 $0x410, s28;
	v57 =	vld.idx.msk [tilespmem:v55+s11+$0x0], $0xffff;
	[tilespmem:s21+$0x50] =	vst v29;
	v29 =	vor.u32 v6, v21  }
0x88: {  	v23 =	vor.u32 v7, v23;
	[tilespmem:s16+$0x11100] =	vst v26;
	v26 =	vld.idx.msk [tilespmem:v56+s11+$0x0], $0xffff  }
0x89: {  	s18 =	sor.u32 $0x450, s24;
	[tilespmem:s0+$0x10] =	vst v27;
	v27 =	vor.u32 v1, v14;
	v25 =	vld.idx.msk [tilespmem:v25+s5+$0x0], $0xffff  }
0x8a: {  	v58 =	vor.u32 v2, v11;
	v31 =	vld.idx.msk [tilespmem:v31+s11+$0x0], $0xffff;
	[tilespmem:s18+$0x11100] =	vst v30  }
0x8b: {  	v59 =	vor.u32 v6, v17;
	s16 =	sor.u32 $0x460, s14;
	v28 =	vld.idx.msk [tilespmem:v28+s5+$0x0], $0xffff;
	[tilespmem:s9+$0x10] =	vst v32  }
0x8c: {  	v30 =	vor.u32 v2, v9;
	s18 =	sor.u32 $0x410, s29;
	[tilespmem:s16+$0x11100] =	vst v24;
	v24 =	vld.idx.msk [tilespmem:v29+s5+$0x0], $0xffff  }
0x8d: {  	[tilespmem:s18+$0x11100] =	vst v57;
	s16 =	sor.u32 $0x450, s15;
	v29 =	vor.u32 v2, v10;
	v23 =	vld.idx.msk [tilespmem:v23+s5+$0x0], $0xffff  }
0x8e: {  	v60 =	vor.u32 v6, v16;
	v27 =	vld.idx.msk [tilespmem:v27+s11+$0x0], $0xffff;
	[tilespmem:s16+$0x11100] =	vst v26  }
0x8f: {  	s18 =	sor.u32 $0x410, s7;
	v26 =	vor.u32 v6, v20;
	[tilespmem:s30+$0x20] =	vst v25;
	v25 =	vld.idx.msk [tilespmem:v58+s5+$0x0], $0xffff  }
0x90: {  	v22 =	vor.u32 v7, v22;
	v32 =	vld.idx.msk [tilespmem:v59+s5+$0x0], $0xffff;
	[tilespmem:s18+$0x11100] =	vst v31  }
0x91: {  	v30 =	vld.idx.msk [tilespmem:v30+s11+$0x0], $0xffff;
	v31 =	vor.u32 v2, v12;
	[tilespmem:s23+$0x60] =	vst v28  }
0x92: {  	v28 =	vld.idx.msk [tilespmem:v29+s5+$0x0], $0xffff;
	v29 =	vor.u32 v2, v13;
	[tilespmem:s25+$0x60] =	vst v24  }
0x93: {  	s16 =	sor.u32 $0x410, s6;
	v33 =	vld.idx.msk [tilespmem:v60+s11+$0x0], $0xffff;
	v24 =	vor.u32 v6, v18;
	[tilespmem:s10+$0x70] =	vst v23  }
0x94: {  	v23 =	vld.idx.msk [tilespmem:v26+s11+$0x0], $0xffff;
	v26 =	vor.u32 v2, v15;
	[tilespmem:s16+$0x11100] =	vst v27  }
0x95: {  	v21 =	vor.u32 v7, v21;
	v22 =	vld.idx.msk [tilespmem:v22+s11+$0x0], $0xffff;
	[tilespmem:s26+$0x20] =	vst v25  }
0x96: {  	s17 =	sor.u32 $0x420, s28;
	v19 =	vor.u32 v7, v19;
	[tilespmem:s21+$0x60] =	vst v32;
	v25 =	vld.idx.msk [tilespmem:v31+s11+$0x0], $0xffff  }
0x97: {  	[tilespmem:s17+$0x11100] =	vst v30;
	v30 =	vor.u32 v3, v8;
	v31 =	vld.idx.msk [tilespmem:v29+s5+$0x0], $0xffff  }
0x98: {  	v61 =	vor.u32 v3, v11;
	s18 =	sor.u32 $0x460, s24;
	[tilespmem:s0+$0x20] =	vst v28;
	v62 =	vld.idx.msk [tilespmem:v24+s11+$0x0], $0xffff  }
0x99: {  	v63 =	vor.u32 v2, v14;
	s16 =	sor.u32 $0x460, s22;
	v27 =	vld.idx.msk [tilespmem:v26+s11+$0x0], $0xffff;
	[tilespmem:s18+$0x11100] =	vst v23  }
0x9a: {  	s14 =	sor.u32 $0x470, s14;
	[tilespmem:s16+$0x11100] =	vst v33;
	v24 =	vld.idx.msk [tilespmem:v21+s5+$0x0], $0xffff;
	v21 =	vor.u32 v7, v17  }
0x9b: {  	s17 =	sor.u32 $0x420, s29;
	v29 =	vor.u32 v3, v10;
	[tilespmem:s14+$0x11100] =	vst v22;
	v22 =	vld.idx.msk [tilespmem:v19+s5+$0x0], $0xffff  }
0x9c: {  	v26 =	vld.idx.msk [tilespmem:v30+s5+$0x0], $0xffff;
	[tilespmem:s17+$0x11100] =	vst v25  }
0x9d: {  	v18 =	vor.u32 v7, v18;
	s18 =	sor.u32 $0x460, s15;
	v25 =	vor.u32 v7, v20;
	v28 =	vld.idx.msk [tilespmem:v61+s5+$0x0], $0xffff;
	[tilespmem:s9+$0x20] =	vst v31  }
0x9e: {  	s10 =	simm.s32 $0x4;
	v19 =	vor.u32 v3, v12;
	s14 =	sor.u32 $0x470, s15;
	s17 =	sor.u32 $0x420, s7;
	v20 =	vor.u32 v7, v16;
	[tilespmem:s18+$0x11100] =	vst v62;
	v23 =	vld.idx.msk [tilespmem:v63+s11+$0x0], $0xffff  }
.LBB2_3:
0x9f: {  	s15 =	sadd.s32 s10, s19;
	s10 =	sadd.s32 $0x4, s10;
	[tilespmem:s17+$0x11100] =	vst v27;
	v17 =	vld.idx.msk [tilespmem:v21+s5+$0x0], $0xffff;
	v16 =	vmov v15  }
0xa0: {  	v27 =	vor.u32 v3, v13;
	s17 =	sadd.s32 $0x4, s15;
	s18 =	sadd.s32 $0x5, s15;
	s16 =	sadd.s32 $0x6, s15;
	v15 =	vld.idx.msk [tilespmem:v29+s5+$0x0], $0xffff;
	v21 =	vor.u32 v3, v16;
	[tilespmem:s25+$0x70] =	vst v24  }
0xa1: {  	s15 =	sadd.s32 $0x7, s15;
	p2 =	slt.u32 s10, $0x3C;
	v24 =	vmov s17;
	v29 =	vmov s18;
	v30 =	vmov s16;
	[tilespmem:s23+$0x70] =	vst v22;
	s23 =	smov.u32 s0  }
0xa2: {  	s25 =	smov.u32 s9;
	v22 =	vand.u32 $0xFFFFFFFC, v24;
	v24 =	vand.u32 $0xFFFFFFFD, v29;
	v29 =	vand.u32 $0xFFFFFFFE, v30;
	v25 =	vld.idx.msk [tilespmem:v25+s11+$0x0], $0xffff  }
0xa3: {  	s0 =	sor.u32 $0x420, s6;
	v30 =	vmov s15;
	v22 =	vbroadcast v22, $0x0;
	[tilespmem:s26+$0x30] =	vst v28;
	v20 =	vld.idx.msk [tilespmem:v20+s11+$0x0], $0xffff  }
0xa4: {  	v28 =	vbroadcast v24, $0x0;
	v19 =	vld.idx.msk [tilespmem:v19+s11+$0x0], $0xffff;
	[tilespmem:s0+$0x11100] =	vst v23  }
0xa5: {  	v29 =	vbroadcast v29, $0x0;
	v24 =	vld.idx.msk [tilespmem:v27+s5+$0x0], $0xffff;
	[tilespmem:s21+$0x70] =	vst v17;
	s21 =	smov.u32 s30  }
0xa6: {  	v17 =	vor.u32 v4, v11;
	[tilespmem:s23+$0x30] =	vst v15;
	v15 =	vld.idx.msk [tilespmem:v18+s11+$0x0], $0xffff  }
0xa7: {  	s0 =	sor.u32 $0x470, s24;
	s24 =	smov.u32 s6;
	v18 =	vld.idx.msk [tilespmem:v21+s11+$0x0], $0xffff  }
0xa8: {  	s6 =	sor.u32 $0x470, s22;
	s22 =	smov.u32 s7;
	v23 =	vld.idx.msk [tilespmem:v30+s13+$0x0], $0xffff;
	[tilespmem:s0+$0x11100] =	vst v25  }
0xa9: {  	s0 =	sor.u32 $0x430, s29;
	v25 =	vor.u32 v4, v10;
	v21 =	vld.idx.msk [tilespmem:v22+s12+$0x0], $0xffff;
	[tilespmem:s6+$0x11100] =	vst v20  }
0xaa: {  	v20 =	vld.idx.msk [tilespmem:v28+s12+$0x0], $0xffff;
	[tilespmem:s0+$0x11100] =	vst v19;
	v19 =	vor.u32 v3, v14  }
0xab: {  	v17 =	vld.idx.msk [tilespmem:v17+s5+$0x0], $0xffff;
	[tilespmem:s25+$0x30] =	vst v24  }
0xac: {  	s0 =	sor.u32 $0x430, s22;
	v27 =	vld.idx.msk [tilespmem:v30+s12+$0x0], $0xffff;
	[tilespmem:s14+$0x11100] =	vst v15  }
0xad: {  	v15 =	vld.idx.msk [tilespmem:v29+s12+$0x0], $0xffff;
	[tilespmem:s0+$0x11100] =	vst v18  }
0xae: {  	v30 =	vor.u32 v4, v12;
	v25 =	vld.idx.msk [tilespmem:v25+s5+$0x0], $0xffff  }
0xaf: {  	v31 =	vor.u32 v3, v9;
	v18 =	vshll.u32 v21, $0x7;
	v19 =	vld.idx.msk [tilespmem:v19+s11+$0x0], $0xffff  }
0xb0: {  	v32 =	vor.u32 v0, v18;
	v24 =	vshll.u32 v20, $0x7;
	v22 =	vld.idx.msk [tilespmem:v22+s13+$0x0], $0xffff  }
0xb1: {  	v34 =	vor.u32 v4, v16;
	v33 =	vor.u32 v0, v24;
	v28 =	vld.idx.msk [tilespmem:v28+s13+$0x0], $0xffff;
	[tilespmem:s26+$0x40] =	vst v17  }
0xb2: {  	v29 =	vld.idx.msk [tilespmem:v29+s13+$0x0], $0xffff  }
0xb3: {  	v20 =	vshll.u32 v15, $0x7;
	[tilespmem:s21+$0x30] =	vst v26;
	v26 =	vld.idx.msk [tilespmem:v30+s11+$0x0], $0xffff;
	v30 =	vor.u32 v4, v13  }
0xb4: {  	s0 =	sor.u32 $0x430, s24;
	v21 =	vshll.u32 v27, $0x7;
	v35 =	vor.u32 v0, v20;
	v27 =	vld.idx.msk [tilespmem:v31+s11+$0x0], $0xffff;
	[tilespmem:s23+$0x40] =	vst v25  }
0xb5: {  	v31 =	vor.u32 v5, v11;
	v25 =	vld.idx.msk [tilespmem:v32+s5+$0x0], $0xffff;
	[tilespmem:s0+$0x11100] =	vst v19  }
0xb6: {  	v17 =	vshll.u32 v22, $0x7;
	v32 =	vor.u32 v4, v8;
	v34 =	vld.idx.msk [tilespmem:v34+s11+$0x0], $0xffff  }
0xb7: {  	s1 =	sadd.s32 $0x200, s1;
	s31 =	sadd.s32 $0x400, s31;
	v36 =	vor.u32 v0, v17;
	v22 =	vshll.u32 v28, $0x7;
	v28 =	vor.u32 v5, v10;
	v33 =	vld.idx.msk [tilespmem:v33+s5+$0x0], $0xffff  }
0xb8: {  	s9 =	sor.u32 $0x440, s29;
	s6 =	sadd.s32 $0xFFFFFE80, s1;
	s0 =	sand.u32 $0x3800, s31;
	v37 =	vor.u32 v0, v22;
	v19 =	vor.u32 v3, v22;
	v15 =	vshll.u32 v29, $0x7;
	v29 =	vld.idx.msk [tilespmem:v30+s5+$0x0], $0xffff  }
0xb9: {  	s6 =	sand.u32 $0x200, s6;
	s7 =	sadd.s32 $0x11100, s0;
	s0 =	sor.u32 $0x430, s28;
	v30 =	vld.idx.msk [tilespmem:v35+s5+$0x0], $0xffff;
	v35 =	vor.u32 v0, v15;
	[tilespmem:s9+$0x11100] =	vst v26  }
0xba: {  	s30 =	sor.u32 s6, s7;
	s6 =	sadd.s32 $0xFFFFFF00, s1;
	[tilespmem:s0+$0x11100] =	vst v27;
	v26 =	vld.idx.msk [tilespmem:v31+s5+$0x0], $0xffff;
	v27 =	vor.u32 v4, v14  }
0xbb: {  	s0 =	sand.u32 $0x280, s6;
	s6 =	sor.u32 $0x440, s22;
	[tilespmem:s30+$0x0] =	vst v25;
	v25 =	vor.u32 v0, v21;
	v31 =	vld.idx.msk [tilespmem:v32+s5+$0x0], $0xffff  }
0xbc: {  	s2 =	sadd.s32 $0x4, s2;
	s17 =	sor.u32 s0, s7;
	s0 =	sadd.s32 $0xFFFFFF80, s1;
	v32 =	vld.idx.msk [tilespmem:v36+s11+$0x0], $0xffff;
	v36 =	vor.u32 v5, v12;
	[tilespmem:s6+$0x11100] =	vst v34  }
0xbd: {  	p1 =	por !p1, !p1;
	s0 =	sand.u32 $0x300, s0;
	s6 =	simm.s32 $0x1;
	[tilespmem:s17+$0x0] =	vst v33;
	v33 =	vor.u32 v4, v9;
	v28 =	vld.idx.msk [tilespmem:v28+s5+$0x0], $0xffff  }
0xbe: {  	s3 =	sadd.s32 $0x2, s3;
	v34 =	vor.u32 v1, v18;
	s6 =	simm.s32 @!p1 $0x0;
	s0 =	sadd.s32 s0, s7;
	v37 =	vld.idx.msk [tilespmem:v37+s11+$0x0], $0xffff;
	[tilespmem:s25+$0x40] =	vst v29  }
0xbf: {  	s9 =	sand.u32 $0x7, s2;
	s6 =	sshll.u32 s6, $0x9;
	v29 =	vor.u32 v5, v16;
	[tilespmem:s0+$0x0] =	vst v30;
	v27 =	vld.idx.msk [tilespmem:v27+s11+$0x0], $0xffff  }
0xc0: {  	s9 =	sshll.u32 s9, $0x7;
	s15 =	sadd.s32 s6, s31;
	v25 =	vld.idx.msk [tilespmem:v25+s5+$0x0], $0xffff;
	[tilespmem:s26+$0x50] =	vst v26  }
0xc1: {  	v23 =	vshll.u32 v23, $0x7;
	s6 =	sadd.s32 s31, s9;
	v30 =	vor.u32 v5, v13;
	s9 =	sor.u32 $0x400, s15;
	[tilespmem:s21+$0x40] =	vst v31;
	v26 =	vld.idx.msk [tilespmem:v36+s11+$0x0], $0xffff  }
0xc2: {  	s14 =	sadd.s32 $0x80, s6;
	s6 =	sadd.s32 $0x180, s6;
	v31 =	vor.u32 v0, v23;
	[tilespmem:s9+$0x11100] =	vst v32;
	v32 =	vld.idx.msk [tilespmem:v33+s11+$0x0], $0xffff  }
0xc3: {  	s9 =	sor.u32 $0x400, s14;
	v33 =	vld.idx.msk [tilespmem:v34+s5+$0x0], $0xffff;
	v34 =	vor.u32 v6, v11;
	[tilespmem:s23+$0x50] =	vst v28  }
0xc4: {  	s16 =	sor.u32 $0x440, s24;
	v28 =	vor.u32 v1, v24;
	[tilespmem:s9+$0x11100] =	vst v37;
	s9 =	sand.u32 $0x380, s1;
	v29 =	vld.idx.msk [tilespmem:v29+s11+$0x0], $0xffff  }
0xc5: {  	v36 =	vor.u32 v5, v8;
	v35 =	vld.idx.msk [tilespmem:v35+s11+$0x0], $0xffff;
	s9 =	sadd.s32 s9, s7;
	[tilespmem:s16+$0x11100] =	vst v27  }
0xc6: {  	s7 =	sand.u32 $0x3, s3;
	v27 =	vor.u32 v1, v17;
	s16 =	sor.u32 $0x450, s29;
	[tilespmem:s9+$0x0] =	vst v25;
	v25 =	vld.idx.msk [tilespmem:v30+s5+$0x0], $0xffff  }
0xc7: {  	s18 =	sor.u32 $0x440, s28;
	s7 =	sshll.u32 s7, $0x8;
	v30 =	vor.u32 v1, v20;
	v31 =	vld.idx.msk [tilespmem:v31+s11+$0x0], $0xffff;
	[tilespmem:s16+$0x11100] =	vst v26  }
0xc8: {  	s7 =	sadd.s32 s31, s7;
	[tilespmem:s18+$0x11100] =	vst v32;
	v26 =	vld.idx.msk [tilespmem:v34+s5+$0x0], $0xffff;
	v32 =	vor.u32 v5, v14  }
0xc9: {  	s16 =	sor.u32 $0x450, s22;
	s7 =	sadd.s32 $0x100, s7;
	[tilespmem:s30+$0x10] =	vst v33;
	v28 =	vld.idx.msk [tilespmem:v28+s5+$0x0], $0xffff;
	v33 =	vor.u32 v1, v21  }
0xca: {  	s18 =	sor.u32 $0x400, s7;
	v34 =	vld.idx.msk [tilespmem:v36+s5+$0x0], $0xffff;
	v36 =	vor.u32 v6, v12;
	[tilespmem:s16+$0x11100] =	vst v29  }
0xcb: {  	v29 =	vor.u32 v1, v22;
	v27 =	vld.idx.msk [tilespmem:v27+s11+$0x0], $0xffff;
	[tilespmem:s18+$0x11100] =	vst v35  }
0xcc: {  	s16 =	sor.u32 $0x400, s6;
	v35 =	vor.u32 v5, v9;
	v30 =	vld.idx.msk [tilespmem:v30+s5+$0x0], $0xffff;
	[tilespmem:s25+$0x50] =	vst v25  }
0xcd: {  	v25 =	vor.u32 v2, v18;
	[tilespmem:s16+$0x11100] =	vst v31;
	v31 =	vld.idx.msk [tilespmem:v32+s11+$0x0], $0xffff  }
0xce: {  	v32 =	vor.u32 v1, v15;
	v33 =	vld.idx.msk [tilespmem:v33+s5+$0x0], $0xffff;
	[tilespmem:s26+$0x60] =	vst v26  }
0xcf: {  	[tilespmem:s17+$0x10] =	vst v28;
	v26 =	vld.idx.msk [tilespmem:v36+s11+$0x0], $0xffff;
	v28 =	vor.u32 v6, v10  }
0xd0: {  	s16 =	sor.u32 $0x410, s15;
	v29 =	vld.idx.msk [tilespmem:v29+s11+$0x0], $0xffff;
	[tilespmem:s21+$0x50] =	vst v34;
	v34 =	vor.u32 v6, v13  }
0xd1: {  	[tilespmem:s16+$0x11100] =	vst v27;
	v27 =	vld.idx.msk [tilespmem:v35+s11+$0x0], $0xffff;
	v35 =	vor.u32 v7, v11;
	v11 =	vmov v24  }
0xd2: {  	s16 =	sor.u32 $0x450, s24;
	v24 =	vld.idx.msk [tilespmem:v25+s5+$0x0], $0xffff;
	[tilespmem:s0+$0x10] =	vst v30;
	v25 =	vor.u32 v1, v23  }
0xd3: {  	v30 =	vor.u32 v2, v11;
	v32 =	vld.idx.msk [tilespmem:v32+s11+$0x0], $0xffff;
	[tilespmem:s16+$0x11100] =	vst v31  }
0xd4: {  	v31 =	vor.u32 v2, v17;
	s16 =	sor.u32 $0x460, s29;
	[tilespmem:s9+$0x10] =	vst v33;
	v33 =	vor.u32 v6, v8;
	v28 =	vld.idx.msk [tilespmem:v28+s5+$0x0], $0xffff  }
0xd5: {  	s18 =	sor.u32 $0x410, s14;
	[tilespmem:s16+$0x11100] =	vst v26;
	v26 =	vld.idx.msk [tilespmem:v34+s5+$0x0], $0xffff  }
0xd6: {  	s16 =	sor.u32 $0x450, s28;
	[tilespmem:s18+$0x11100] =	vst v29;
	v29 =	vor.u32 v2, v20;
	v34 =	vld.idx.msk [tilespmem:v35+s5+$0x0], $0xffff  }
0xd7: {  	v25 =	vld.idx.msk [tilespmem:v25+s11+$0x0], $0xffff;
	[tilespmem:s16+$0x11100] =	vst v27;
	v27 =	vor.u32 v6, v14  }
0xd8: {  	s16 =	sor.u32 $0x410, s7;
	[tilespmem:s30+$0x20] =	vst v24;
	v24 =	vld.idx.msk [tilespmem:v30+s5+$0x0], $0xffff;
	v30 =	vor.u32 v6, v16  }
0xd9: {  	v35 =	vor.u32 v7, v12;
	v12 =	vmov v22;
	v31 =	vld.idx.msk [tilespmem:v31+s11+$0x0], $0xffff;
	[tilespmem:s16+$0x11100] =	vst v32;
	v32 =	vor.u32 v6, v9  }
0xda: {  	v22 =	vor.u32 v2, v12;
	v33 =	vld.idx.msk [tilespmem:v33+s5+$0x0], $0xffff;
	[tilespmem:s23+$0x60] =	vst v28  }
0xdb: {  	v28 =	vld.idx.msk [tilespmem:v29+s5+$0x0], $0xffff;
	v29 =	vor.u32 v2, v21;
	[tilespmem:s25+$0x60] =	vst v26  }
0xdc: {  	s16 =	sor.u32 $0x410, s6;
	[tilespmem:s26+$0x70] =	vst v34;
	v26 =	vld.idx.msk [tilespmem:v27+s11+$0x0], $0xffff;
	s26 =	smov.u32 s17  }
0xdd: {  	v27 =	vor.u32 v2, v15;
	[tilespmem:s16+$0x11100] =	vst v25;
	v25 =	vld.idx.msk [tilespmem:v30+s11+$0x0], $0xffff  }
0xde: {  	s16 =	sor.u32 $0x420, s15;
	[tilespmem:s26+$0x20] =	vst v24;
	v30 =	vld.idx.msk [tilespmem:v35+s11+$0x0], $0xffff;
	v24 =	vor.u32 v7, v13;
	v13 =	vmov v21  }
0xdf: {  	[tilespmem:s16+$0x11100] =	vst v31;
	v31 =	vld.idx.msk [tilespmem:v22+s11+$0x0], $0xffff;
	v22 =	vor.u32 v7, v10;
	v10 =	vmov v20  }
0xe0: {  	v21 =	vor.u32 v7, v8;
	v8 =	vmov v18;
	v20 =	vor.u32 v3, v18;
	v34 =	vld.idx.msk [tilespmem:v29+s5+$0x0], $0xffff;
	[tilespmem:s21+$0x60] =	vst v33  }
0xe1: {  	v18 =	vor.u32 v3, v11;
	s16 =	sor.u32 $0x460, s24;
	[tilespmem:s0+$0x20] =	vst v28;
	v32 =	vld.idx.msk [tilespmem:v32+s11+$0x0], $0xffff  }
0xe2: {  	s17 =	sor.u32 $0x460, s22;
	v33 =	vor.u32 v2, v23;
	v27 =	vld.idx.msk [tilespmem:v27+s11+$0x0], $0xffff;
	[tilespmem:s16+$0x11100] =	vst v26  }
.Ltmp0:
0xe3: {  	s18 =	sor.u32 $0x470, s29;
	s16 =	sor.u32 $0x460, s28;
	[tilespmem:s17+$0x11100] =	vst v25;
	v24 =	vld.idx.msk [tilespmem:v24+s5+$0x0], $0xffff;
	(pc) =	sbr.rel @p2 .LBB2_3-.Ltmp0, $4  }
0xe4: {  	s29 =	smov.u32 s14;
	v29 =	vor.u32 v3, v10;
	s17 =	sor.u32 $0x420, s14;
	[tilespmem:s18+$0x11100] =	vst v30;
	v22 =	vld.idx.msk [tilespmem:v22+s5+$0x0], $0xffff  }
0xe5: {  	v26 =	vld.idx.msk [tilespmem:v20+s5+$0x0], $0xffff;
	[tilespmem:s17+$0x11100] =	vst v31  }
0xe6: {  	v25 =	vor.u32 v7, v14;
	v14 =	vmov v23;
	v28 =	vld.idx.msk [tilespmem:v18+s5+$0x0], $0xffff;
	[tilespmem:s9+$0x20] =	vst v34  }
0xe7: {  	s14 =	sor.u32 $0x470, s28;
	s28 =	smov.u32 s15;
	s17 =	sor.u32 $0x420, s7;
	v20 =	vor.u32 v7, v16;
	v18 =	vor.u32 v7, v9;
	v9 =	vmov v17;
	v23 =	vld.idx.msk [tilespmem:v33+s11+$0x0], $0xffff;
	[tilespmem:s16+$0x11100] =	vst v32  }
0xe8: {  	v16 =	vor.u32 v3, v13;
	_ =	sdelay $0x2  }
0xe9: {  	s1 =	sor.u32 $0x420, s6;
	[tilespmem:s17+$0x11100] =	vst v27  }
0xea: {  	v17 =	vld.idx.msk [tilespmem:v29+s5+$0x0], $0xffff;
	v29 =	vor.u32 v3, v9;
	[tilespmem:s1+$0x11100] =	vst v23  }
0xeb: {  	v16 =	vld.idx.msk [tilespmem:v16+s5+$0x0], $0xffff  }
0xec: {  	v23 =	vor.u32 v3, v14  }
0xed: {  	v27 =	vor.u32 v3, v15  }
0xee: {  	[tilespmem:s30+$0x30] =	vst v26  }
0xef: {  	[tilespmem:s26+$0x30] =	vst v28;
	v28 =	vld.idx.msk [tilespmem:v29+s11+$0x0], $0xffff  }
0xf0: {  	v19 =	vld.idx.msk [tilespmem:v19+s11+$0x0], $0xffff;
	v29 =	vor.u32 v4, v8;
	[tilespmem:s9+$0x30] =	vst v16  }
0xf1: {  	[tilespmem:s0+$0x30] =	vst v17;
	v16 =	vor.u32 v4, v11;
	v17 =	vld.idx.msk [tilespmem:v23+s11+$0x0], $0xffff  }
0xf2: {  	v26 =	vor.u32 v4, v13;
	v23 =	vld.idx.msk [tilespmem:v27+s11+$0x0], $0xffff  }
0xf3: {  	s18 =	sor.u32 $0x430, s28;
	v27 =	vor.u32 v4, v10  }
0xf4: {  	s16 =	sor.u32 $0x430, s29;
	[tilespmem:s18+$0x11100] =	vst v28  }
0xf5: {  	s17 =	sor.u32 $0x430, s6;
	[tilespmem:s16+$0x11100] =	vst v19;
	v28 =	vld.idx.msk [tilespmem:v29+s5+$0x0], $0xffff  }
0xf6: {  	s2 =	sor.u32 $0x430, s7;
	v29 =	vor.u32 v4, v9;
	v16 =	vld.idx.msk [tilespmem:v16+s5+$0x0], $0xffff;
	[tilespmem:s17+$0x11100] =	vst v17  }
0xf7: {  	[tilespmem:s2+$0x11100] =	vst v23;
	v17 =	vor.u32 v4, v12;
	v19 =	vld.idx.msk [tilespmem:v26+s5+$0x0], $0xffff  }
0xf8: {  	v23 =	vld.idx.msk [tilespmem:v27+s5+$0x0], $0xffff;
	v26 =	vor.u32 v4, v14  }
0xf9: {  	v27 =	vor.u32 v4, v15  }
0xfa: {  	[tilespmem:s30+$0x40] =	vst v28  }
0xfb: {  	v28 =	vld.idx.msk [tilespmem:v29+s11+$0x0], $0xffff;
	[tilespmem:s26+$0x40] =	vst v16  }
0xfc: {  	v29 =	vor.u32 v5, v8;
	v16 =	vld.idx.msk [tilespmem:v17+s11+$0x0], $0xffff;
	[tilespmem:s9+$0x40] =	vst v19  }
0xfd: {  	v17 =	vor.u32 v5, v11;
	[tilespmem:s0+$0x40] =	vst v23;
	v19 =	vld.idx.msk [tilespmem:v26+s11+$0x0], $0xffff  }
0xfe: {  	v23 =	vld.idx.msk [tilespmem:v27+s11+$0x0], $0xffff;
	v26 =	vor.u32 v5, v13  }
0xff: {  	s15 =	sor.u32 $0x440, s28;
	v27 =	vor.u32 v5, v10  }
0x100: {  	s2 =	sor.u32 $0x440, s29;
	[tilespmem:s15+$0x11100] =	vst v28  }
0x101: {  	s3 =	sor.u32 $0x440, s6;
	v28 =	vld.idx.msk [tilespmem:v29+s5+$0x0], $0xffff;
	[tilespmem:s2+$0x11100] =	vst v16  }
0x102: {  	s10 =	sor.u32 $0x440, s7;
	v29 =	vor.u32 v5, v9;
	v16 =	vld.idx.msk [tilespmem:v17+s5+$0x0], $0xffff;
	[tilespmem:s3+$0x11100] =	vst v19  }
0x103: {  	v17 =	vor.u32 v5, v12;
	[tilespmem:s10+$0x11100] =	vst v23;
	v19 =	vld.idx.msk [tilespmem:v26+s5+$0x0], $0xffff  }
0x104: {  	v23 =	vld.idx.msk [tilespmem:v27+s5+$0x0], $0xffff;
	v26 =	vor.u32 v5, v14  }
0x105: {  	v27 =	vor.u32 v5, v15  }
0x106: {  	[tilespmem:s30+$0x50] =	vst v28  }
0x107: {  	v28 =	vld.idx.msk [tilespmem:v29+s11+$0x0], $0xffff;
	[tilespmem:s26+$0x50] =	vst v16  }
0x108: {  	v29 =	vor.u32 v6, v8;
	v16 =	vld.idx.msk [tilespmem:v17+s11+$0x0], $0xffff;
	[tilespmem:s9+$0x50] =	vst v19  }
0x109: {  	v17 =	vor.u32 v6, v11;
	[tilespmem:s0+$0x50] =	vst v23;
	v19 =	vld.idx.msk [tilespmem:v26+s11+$0x0], $0xffff  }
0x10a: {  	v23 =	vld.idx.msk [tilespmem:v27+s11+$0x0], $0xffff;
	v26 =	vor.u32 v6, v13  }
0x10b: {  	s3 =	sor.u32 $0x450, s28;
	v27 =	vor.u32 v6, v10  }
0x10c: {  	s16 =	sor.u32 $0x450, s29;
	[tilespmem:s3+$0x11100] =	vst v28  }
0x10d: {  	s17 =	sor.u32 $0x450, s6;
	v28 =	vld.idx.msk [tilespmem:v29+s5+$0x0], $0xffff;
	[tilespmem:s16+$0x11100] =	vst v16  }
0x10e: {  	s18 =	sor.u32 $0x450, s7;
	v16 =	vld.idx.msk [tilespmem:v17+s5+$0x0], $0xffff;
	[tilespmem:s17+$0x11100] =	vst v19  }
0x10f: {  	v17 =	vor.u32 v6, v12;
	[tilespmem:s18+$0x11100] =	vst v23;
	v19 =	vld.idx.msk [tilespmem:v26+s5+$0x0], $0xffff  }
0x110: {  	v29 =	vor.u32 v6, v9;
	v23 =	vld.idx.msk [tilespmem:v27+s5+$0x0], $0xffff  }
0x111: {  	v26 =	vor.u32 v6, v14  }
0x112: {  	v27 =	vor.u32 v6, v15;
	[tilespmem:s30+$0x60] =	vst v28  }
0x113: {  	[tilespmem:s26+$0x60] =	vst v16  }
0x114: {  	v16 =	vld.idx.msk [tilespmem:v17+s11+$0x0], $0xffff;
	[tilespmem:s9+$0x60] =	vst v19  }
0x115: {  	v11 =	vor.u32 v7, v11;
	[tilespmem:s0+$0x60] =	vst v23;
	v23 =	vld.idx.msk [tilespmem:v29+s11+$0x0], $0xffff  }
0x116: {  	v8 =	vor.u32 v7, v8;
	v17 =	vld.idx.msk [tilespmem:v26+s11+$0x0], $0xffff  }
0x117: {  	[tilespmem:s25+$0x70] =	vst v24;
	v13 =	vor.u32 v7, v13;
	v19 =	vld.idx.msk [tilespmem:v27+s11+$0x0], $0xffff  }
0x118: {  	v21 =	vld.idx.msk [tilespmem:v21+s5+$0x0], $0xffff;
	[tilespmem:s23+$0x70] =	vst v22;
	s10 =	sor.u32 $0x460, s29;
	v10 =	vor.u32 v7, v10  }
0x119: {  	v22 =	vld.idx.msk [tilespmem:v25+s11+$0x0], $0xffff;
	s17 =	sor.u32 $0x460, s28;
	[tilespmem:s10+$0x11100] =	vst v16  }
0x11a: {  	s15 =	sor.u32 $0x460, s6;
	v11 =	vld.idx.msk [tilespmem:v11+s5+$0x0], $0xffff;
	[tilespmem:s17+$0x11100] =	vst v23  }
0x11b: {  	s16 =	sor.u32 $0x460, s7;
	v12 =	vor.u32 v7, v12;
	[tilespmem:s15+$0x11100] =	vst v17;
	v8 =	vld.idx.msk [tilespmem:v8+s5+$0x0], $0xffff  }
0x11c: {  	v9 =	vor.u32 v7, v9;
	[tilespmem:s16+$0x11100] =	vst v19;
	v13 =	vld.idx.msk [tilespmem:v13+s5+$0x0], $0xffff  }
0x11d: {  	[tilespmem:s21+$0x70] =	vst v21;
	s18 =	sor.u32 $0x470, s24;
	v14 =	vor.u32 v7, v14;
	v10 =	vld.idx.msk [tilespmem:v10+s5+$0x0], $0xffff  }
0x11e: {  	v15 =	vor.u32 v7, v15;
	[tilespmem:s18+$0x11100] =	vst v22;
	v16 =	vld.idx.msk [tilespmem:v20+s11+$0x0], $0xffff  }
0x11f: {  	v17 =	vld.idx.msk [tilespmem:v18+s11+$0x0], $0xffff;
	[tilespmem:s26+$0x70] =	vst v11  }
0x120: {  	v11 =	vld.idx.msk [tilespmem:v12+s11+$0x0], $0xffff;
	[tilespmem:s30+$0x70] =	vst v8  }
0x121: {  	[tilespmem:s9+$0x70] =	vst v13;
	v8 =	vld.idx.msk [tilespmem:v9+s11+$0x0], $0xffff  }
0x122: {  	s21 =	sor.u32 $0x470, s22;
	[tilespmem:s0+$0x70] =	vst v10;
	v10 =	vld.idx.msk [tilespmem:v14+s11+$0x0], $0xffff  }
0x123: {  	s23 =	sadd.s32 $0xFFFFFFFC, s19;
	[tilespmem:s21+$0x11100] =	vst v16;
	v12 =	vld.idx.msk [tilespmem:v15+s11+$0x0], $0xffff  }
0x124: {  	s22 =	sor.u32 $0x470, s29;
	s3 =	sadd.s32 $0x44, s23;
	[tilespmem:s14+$0x11100] =	vst v17  }
0x125: {  	s25 =	sshll.u32 s20, $0xF;
	v9 =	vmov s3;
	s3 =	sor.u32 $0x470, s28;
	[tilespmem:s22+$0x11100] =	vst v11  }
0x126: {  	s2 =	sadd.s32 s25, s8;
	s24 =	sor.u32 $0x470, s6;
	[tilespmem:s3+$0x11100] =	vst v8  }
0x127: {  	s26 =	sor.u32 $0x470, s7;
	s0 =	sshrl.u32 s2, $0x3;
	v9 =	vand.u32 $0xFFFFFFFC, v9;
	[tilespmem:s24+$0x11100] =	vst v10  }
0x128: {  	s6 =	simm.s32 $0x11100;
	s0 =	sadd.s32 s4, s0;
	v8 =	vbroadcast v9, $0x0;
	[tilespmem:s26+$0x11100] =	vst v12  }
0x129: {  	[hbm4b:s0+s5] =	stream.linear.scatter [tilespmem:s6], [sflag:$0x1], $0x4000, $0x38;
	[tilespmem:$0x19100] =	vst v63  }
0x12a: {  	s0 =	simm.s32 @!p0 $0x2  }
0x12b: {  	_ =	swait.ge @!p0 [sflag:s0], $0x4000  }
0x12c: {  	[sflag:s0] =	ssyncset.done @!p0 $0x0  }
0x12d: {  	s7 =	sadd.s32 $0x45, s23;
	[sflag:s0] =	ssyncadd.s32 @!p0 $0xFFFFC000  }
0x12e: {  	v9 =	vmov s7;
	v10 =	vld.idx.msk [tilespmem:v8+s12+$0x0], $0xffff  }
0x12f: {  	s8 =	sadd.s32 $0x46, s23;
	v9 =	vand.u32 $0xFFFFFFFD, v9  }
0x130: {  	v11 =	vmov s8;
	v9 =	vbroadcast v9, $0x0  }
0x131: {  	v11 =	vand.u32 $0xFFFFFFFE, v11  }
0x132: {  	v12 =	vbroadcast v11, $0x0  }
0x133: {  	v11 =	vshll.u32 v10, $0x7  }
0x134: {  	v8 =	vld.idx.msk [tilespmem:v8+s13+$0x0], $0xffff;
	v10 =	vor.u32 v0, v11;
	_ =	sdelay $0x1  }
0x135: {  	v13 =	vld.idx.msk [tilespmem:v9+s12+$0x0], $0xffff  }
0x136: {  	s9 =	sadd.s32 $0x47, s23  }
0x137: {  	v14 =	vmov s9;
	v15 =	vld.idx.msk [tilespmem:v12+s12+$0x0], $0xffff  }
0x138: {  	v8 =	vshll.u32 v8, $0x7;
	v10 =	vld.idx.msk [tilespmem:v10+s5+$0x0], $0xffff  }
0x139: {  	s10 =	simm.s32 $0x0;
	v16 =	vor.u32 v0, v8  }
0x13a: {  	s15 =	simm.s32 $0x0;
	s14 =	sand.u32 $0x3800, s10;
	v22 =	vshll.u32 v13, $0x7  }
0x13b: {  	s2 =	sand.u32 $0x200, s15;
	s1 =	sadd.s32 $0x11100, s14;
	v9 =	vld.idx.msk [tilespmem:v9+s13+$0x0], $0xffff;
	v13 =	vor.u32 v0, v22  }
0x13c: {  	s22 =	sor.u32 s2, s1;
	v17 =	vld.idx.msk [tilespmem:v14+s12+$0x0], $0xffff;
	v23 =	vshll.u32 v15, $0x7  }
0x13d: {  	v12 =	vld.idx.msk [tilespmem:v12+s13+$0x0], $0xffff;
	v15 =	vor.u32 v0, v23;
	[tilespmem:s22+$0x4000] =	vst v10  }
0x13e: {  	s2 =	simm.s32 $0x1;
	p0 =	por $0x0, $0x0;
	v16 =	vld.idx.msk [tilespmem:v16+s11+$0x0], $0xffff  }
0x13f: {  	s2 =	simm.s32 @!p0 $0x0;
	v18 =	vor.u32 v1, v11  }
0x140: {  	s2 =	sshll.u32 s2, $0x9;
	v9 =	vshll.u32 v9, $0x7;
	v19 =	vld.idx.msk [tilespmem:v13+s5+$0x0], $0xffff  }
0x141: {  	v14 =	vld.idx.msk [tilespmem:v14+s13+$0x0], $0xffff;
	s2 =	sadd.s32 $0x0, s2;
	v10 =	vshll.u32 v17, $0x7;
	v17 =	vor.u32 v0, v9  }
0x142: {  	s16 =	simm.s32 $0x80;
	s21 =	sor.u32 $0x4400, s2;
	v15 =	vld.idx.msk [tilespmem:v15+s5+$0x0], $0xffff;
	v13 =	vshll.u32 v12, $0x7;
	v12 =	vor.u32 v0, v10  }
0x143: {  	s17 =	sand.u32 $0x280, s16;
	v20 =	vor.u32 v0, v13;
	[tilespmem:s21+$0x11100] =	vst v16  }
0x144: {  	s18 =	simm.s32 $0x100;
	s26 =	sor.u32 s17, s1;
	v16 =	vld.idx.msk [tilespmem:v18+s5+$0x0], $0xffff  }
0x145: {  	s2 =	sand.u32 $0x300, s18;
	[tilespmem:s26+$0x4000] =	vst v19;
	v18 =	vor.u32 v1, v8  }
0x146: {  	s23 =	sand.u32 $0x7, s10;
	s29 =	sadd.s32 s2, s1;
	v17 =	vld.idx.msk [tilespmem:v17+s11+$0x0], $0xffff  }
0x147: {  	s2 =	sshll.u32 s23, $0x7;
	[tilespmem:s29+$0x4000] =	vst v15;
	v19 =	vld.idx.msk [tilespmem:v12+s5+$0x0], $0xffff;
	v12 =	vshll.u32 v14, $0x7;
	v14 =	vor.u32 v1, v22  }
0x148: {  	s0 =	sand.u32 $0x3, s10;
	s2 =	sadd.s32 $0x0, s2;
	v20 =	vld.idx.msk [tilespmem:v20+s11+$0x0], $0xffff;
	v15 =	vor.u32 v0, v12  }
0x149: {  	s24 =	simm.s32 $0x180;
	s0 =	sshll.u32 s0, $0x8;
	s25 =	sadd.s32 $0x80, s2;
	v21 =	vor.u32 v1, v23;
	[tilespmem:s22+$0x4010] =	vst v16  }
0x14a: {  	s3 =	sand.u32 $0x380, s24;
	s0 =	sadd.s32 $0x0, s0;
	s23 =	sor.u32 $0x4400, s25;
	v16 =	vld.idx.msk [tilespmem:v18+s11+$0x0], $0xffff  }
0x14b: {  	s24 =	sadd.s32 s3, s1;
	s0 =	sadd.s32 $0x100, s0;
	[tilespmem:s23+$0x11100] =	vst v17;
	v17 =	vor.u32 v2, v11  }
0x14c: {  	s28 =	sor.u32 $0x4400, s0;
	[tilespmem:s24+$0x4000] =	vst v19;
	v14 =	vld.idx.msk [tilespmem:v14+s5+$0x0], $0xffff  }
0x14d: {  	[tilespmem:s28+$0x11100] =	vst v20;
	v15 =	vld.idx.msk [tilespmem:v15+s11+$0x0], $0xffff;
	v18 =	vor.u32 v1, v9  }
0x14e: {  	v20 =	vor.u32 v1, v10;
	v19 =	vld.idx.msk [tilespmem:v21+s5+$0x0], $0xffff  }
0x14f: {  	v21 =	vor.u32 v1, v13;
	[tilespmem:s21+$0x11110] =	vst v16  }
0x150: {  	s2 =	sadd.s32 $0x180, s2;
	v16 =	vld.idx.msk [tilespmem:v17+s5+$0x0], $0xffff  }
0x151: {  	s25 =	sor.u32 $0x4400, s2;
	[tilespmem:s26+$0x4010] =	vst v14;
	v14 =	vor.u32 v2, v8  }
0x152: {  	[tilespmem:s25+$0x11100] =	vst v15;
	v17 =	vld.idx.msk [tilespmem:v18+s11+$0x0], $0xffff  }
0x153: {  	[tilespmem:s29+$0x4010] =	vst v19;
	v15 =	vld.idx.msk [tilespmem:v20+s5+$0x0], $0xffff;
	v18 =	vor.u32 v2, v22  }
0x154: {  	v19 =	vld.idx.msk [tilespmem:v21+s11+$0x0], $0xffff;
	v20 =	vor.u32 v1, v12  }
0x155: {  	v21 =	vor.u32 v2, v23;
	[tilespmem:s22+$0x4020] =	vst v16  }
0x156: {  	v14 =	vld.idx.msk [tilespmem:v14+s11+$0x0], $0xffff  }
0x157: {  	[tilespmem:s23+$0x11110] =	vst v17;
	v16 =	vor.u32 v3, v11  }
0x158: {  	[tilespmem:s24+$0x4010] =	vst v15;
	v17 =	vld.idx.msk [tilespmem:v18+s5+$0x0], $0xffff  }
0x159: {  	s3 =	sadd.s32 $0x0, s19;
	[tilespmem:s28+$0x11110] =	vst v19;
	v15 =	vld.idx.msk [tilespmem:v20+s11+$0x0], $0xffff;
	v18 =	vor.u32 v2, v9  }
0x15a: {  	s6 =	sadd.s32 $0x45, s3;
	v19 =	vor.u32 v2, v10;
	v20 =	vld.idx.msk [tilespmem:v21+s5+$0x0], $0xffff  }
0x15b: {  	v24 =	vmov s6;
	v21 =	vor.u32 v2, v13;
	[tilespmem:s21+$0x11120] =	vst v14  }
0x15c: {  	v24 =	vand.u32 $0xFFFFFFFD, v24;
	v14 =	vld.idx.msk [tilespmem:v16+s5+$0x0], $0xffff  }
0x15d: {  	v24 =	vbroadcast v24, $0x0;
	[tilespmem:s26+$0x4020] =	vst v17;
	v16 =	vor.u32 v3, v8  }
0x15e: {  	s4 =	sadd.s32 $0x44, s3;
	s0 =	sadd.s32 $0x47, s3;
	[tilespmem:s25+$0x11110] =	vst v15;
	v17 =	vld.idx.msk [tilespmem:v18+s11+$0x0], $0xffff  }
0x15f: {  	v26 =	vmov s0;
	[tilespmem:s29+$0x4020] =	vst v20;
	v15 =	vld.idx.msk [tilespmem:v19+s5+$0x0], $0xffff;
	v19 =	vmov s4  }
0x160: {  	v20 =	vld.idx.msk [tilespmem:v21+s11+$0x0], $0xffff;
	v21 =	vor.u32 v2, v12;
	v19 =	vand.u32 $0xFFFFFFFC, v19  }
0x161: {  	v18 =	vor.u32 v3, v22;
	v19 =	vbroadcast v19, $0x0;
	[tilespmem:s22+$0x4030] =	vst v14  }
0x162: {  	s7 =	sadd.s32 $0x46, s3;
	v16 =	vld.idx.msk [tilespmem:v16+s11+$0x0], $0xffff  }
0x163: {  	v27 =	vld.idx.msk [tilespmem:v24+s12+$0x0], $0xffff;
	v14 =	vor.u32 v3, v23;
	[tilespmem:s23+$0x11120] =	vst v17;
	v17 =	vmov s7  }
0x164: {  	v25 =	vor.u32 v4, v11;
	v33 =	vld.idx.msk [tilespmem:v26+s12+$0x0], $0xffff;
	[tilespmem:s24+$0x4020] =	vst v15;
	v17 =	vand.u32 $0xFFFFFFFE, v17  }
0x165: {  	[tilespmem:s28+$0x11120] =	vst v20;
	v20 =	vld.idx.msk [tilespmem:v21+s11+$0x0], $0xffff;
	v17 =	vbroadcast v17, $0x0  }
0x166: {  	v15 =	vld.idx.msk [tilespmem:v18+s5+$0x0], $0xffff  }
0x167: {  	[tilespmem:s21+$0x11130] =	vst v16;
	v16 =	vld.idx.msk [tilespmem:v19+s12+$0x0], $0xffff  }
0x168: {  	v14 =	vld.idx.msk [tilespmem:v14+s5+$0x0], $0xffff  }
0x169: {  	v29 =	vor.u32 v3, v9;
	v21 =	vld.idx.msk [tilespmem:v25+s5+$0x0], $0xffff  }
0x16a: {  	v19 =	vld.idx.msk [tilespmem:v19+s13+$0x0], $0xffff;
	v25 =	vor.u32 v3, v13  }
0x16b: {  	v31 =	vor.u32 v4, v8;
	v28 =	vld.idx.msk [tilespmem:v17+s12+$0x0], $0xffff  }
0x16c: {  	[tilespmem:s26+$0x4030] =	vst v15;
	v30 =	vld.idx.msk [tilespmem:v17+s13+$0x0], $0xffff;
	v18 =	vshll.u32 v16, $0x7  }
0x16d: {  	v17 =	vshll.u32 v27, $0x7;
	[tilespmem:s29+$0x4030] =	vst v14;
	v16 =	vld.idx.msk [tilespmem:v24+s13+$0x0], $0xffff;
	v24 =	vor.u32 v0, v18  }
0x16e: {  	[tilespmem:s22+$0x4040] =	vst v21;
	v21 =	vld.idx.msk [tilespmem:v29+s11+$0x0], $0xffff;
	v29 =	vor.u32 v0, v17  }
0x16f: {  	v32 =	vor.u32 v3, v10;
	v25 =	vld.idx.msk [tilespmem:v25+s11+$0x0], $0xffff  }
0x170: {  	v27 =	vor.u32 v4, v23;
	v31 =	vld.idx.msk [tilespmem:v31+s11+$0x0], $0xffff;
	v15 =	vshll.u32 v28, $0x7  }
0x171: {  	v26 =	vld.idx.msk [tilespmem:v26+s13+$0x0], $0xffff;
	v46 =	vor.u32 v0, v15  }
0x172: {  	v47 =	vor.u32 v4, v22;
	v24 =	vld.idx.msk [tilespmem:v24+s5+$0x0], $0xffff  }
0x173: {  	s9 =	simm.s32 $0x200;
	s0 =	simm.s32 $0x400;
	[tilespmem:s25+$0x11120] =	vst v20;
	v20 =	vor.u32 v5, v11;
	v14 =	vshll.u32 v19, $0x7;
	v29 =	vld.idx.msk [tilespmem:v29+s5+$0x0], $0xffff  }
0x174: {  	s10 =	simm.s32 $0x280;
	p0 =	por !p0, !p0;
	s8 =	sand.u32 $0x3800, s0;
	v19 =	vshll.u32 v33, $0x7;
	v28 =	vor.u32 v0, v14;
	[tilespmem:s28+$0x11130] =	vst v25;
	v25 =	vld.idx.msk [tilespmem:v32+s5+$0x0], $0xffff  }
0x175: {  	s3 =	simm.s32 $0x1;
	s1 =	sadd.s32 $0x11100, s8;
	s2 =	sand.u32 $0x200, s9;
	v27 =	vld.idx.msk [tilespmem:v27+s5+$0x0], $0xffff;
	[tilespmem:s21+$0x11140] =	vst v31;
	v31 =	vor.u32 v0, v19  }
0x176: {  	s3 =	simm.s32 @!p0 $0x0;
	s31 =	sor.u32 s2, s1;
	s2 =	sand.u32 $0x280, s10;
	v34 =	vor.u32 v3, v12;
	[tilespmem:s23+$0x11130] =	vst v21;
	v21 =	vshll.u32 v30, $0x7;
	v32 =	vld.idx.msk [tilespmem:v46+s5+$0x0], $0xffff  }
0x177: {  	s3 =	sshll.u32 s3, $0x9;
	s2 =	sor.u32 s2, s1;
	v33 =	vld.idx.msk [tilespmem:v47+s5+$0x0], $0xffff;
	v30 =	vor.u32 v0, v21;
	[tilespmem:s31+$0x4000] =	vst v24  }
0x178: {  	s14 =	simm.s32 $0x300;
	s3 =	sadd.s32 $0x400, s3;
	v20 =	vld.idx.msk [tilespmem:v20+s5+$0x0], $0xffff;
	v24 =	vor.u32 v4, v13;
	[tilespmem:s2+$0x4000] =	vst v29  }
0x179: {  	s15 =	sand.u32 $0x300, s14;
	s30 =	sor.u32 $0x4400, s3;
	s7 =	simm.s32 $0x380;
	v16 =	vshll.u32 v16, $0x7;
	v29 =	vor.u32 v5, v8;
	[tilespmem:s24+$0x4030] =	vst v25;
	v28 =	vld.idx.msk [tilespmem:v28+s11+$0x0], $0xffff  }
0x17a: {  	s9 =	simm.s32 $0x4;
	s10 =	sadd.s32 s15, s1;
	s17 =	sand.u32 $0x380, s7;
	v35 =	vor.u32 v0, v16;
	[tilespmem:s29+$0x4040] =	vst v27;
	v27 =	vld.idx.msk [tilespmem:v31+s5+$0x0], $0xffff  }
0x17b: {  	s16 =	sand.u32 $0x7, s9;
	s3 =	sadd.s32 s17, s1;
	s17 =	simm.s32 $0x2;
	v36 =	vor.u32 v1, v18;
	v31 =	vld.idx.msk [tilespmem:v34+s11+$0x0], $0xffff;
	[tilespmem:s10+$0x4000] =	vst v32  }
0x17c: {  	s18 =	sshll.u32 s16, $0x7;
	s8 =	sand.u32 $0x3, s17;
	v25 =	vor.u32 v4, v9;
	[tilespmem:s26+$0x4040] =	vst v33;
	v30 =	vld.idx.msk [tilespmem:v30+s11+$0x0], $0xffff  }
0x17d: {  	v50 =	vor.u32 v4, v10;
	s4 =	sadd.s32 $0x400, s18;
	s15 =	sshll.u32 s8, $0x8;
	[tilespmem:s22+$0x4050] =	vst v20;
	v20 =	vshll.u32 v26, $0x7;
	v24 =	vld.idx.msk [tilespmem:v24+s11+$0x0], $0xffff  }
0x17e: {  	s14 =	sadd.s32 $0x80, s4;
	s15 =	sadd.s32 $0x400, s15;
	v51 =	vor.u32 v0, v20;
	v29 =	vld.idx.msk [tilespmem:v29+s11+$0x0], $0xffff;
	[tilespmem:s30+$0x11100] =	vst v28  }
0x17f: {  	v48 =	vor.u32 v5, v23;
	s1 =	sor.u32 $0x4400, s14;
	s14 =	sadd.s32 $0x100, s15;
	v28 =	vld.idx.msk [tilespmem:v35+s11+$0x0], $0xffff;
	[tilespmem:s3+$0x4000] =	vst v27  }
0x180: {  	s18 =	sor.u32 $0x4400, s14;
	v26 =	vor.u32 v1, v17;
	[tilespmem:s25+$0x11130] =	vst v31;
	v49 =	vld.idx.msk [tilespmem:v36+s5+$0x0], $0xffff  }
0x181: {  	v25 =	vld.idx.msk [tilespmem:v25+s11+$0x0], $0xffff;
	v27 =	vor.u32 v1, v14;
	[tilespmem:s18+$0x11100] =	vst v30  }
0x182: {  	v31 =	vld.idx.msk [tilespmem:v50+s5+$0x0], $0xffff;
	[tilespmem:s28+$0x11140] =	vst v24;
	v24 =	vor.u32 v1, v15  }
0x183: {  	v33 =	vld.idx.msk [tilespmem:v51+s11+$0x0], $0xffff;
	[tilespmem:s21+$0x11150] =	vst v29;
	v29 =	vor.u32 v4, v12  }
0x184: {  	v34 =	vld.idx.msk [tilespmem:v48+s5+$0x0], $0xffff;
	[tilespmem:s1+$0x11100] =	vst v28;
	v28 =	vor.u32 v5, v22  }
0x185: {  	v52 =	vor.u32 v5, v13;
	[tilespmem:s31+$0x4010] =	vst v49;
	v26 =	vld.idx.msk [tilespmem:v26+s5+$0x0], $0xffff  }
0x186: {  	s6 =	sadd.s32 $0x180, s4;
	v53 =	vor.u32 v1, v16;
	[tilespmem:s23+$0x11140] =	vst v25;
	v27 =	vld.idx.msk [tilespmem:v27+s11+$0x0], $0xffff  }
0x187: {  	s14 =	sor.u32 $0x4400, s6;
	v30 =	vor.u32 v1, v19;
	[tilespmem:s24+$0x4040] =	vst v31;
	v24 =	vld.idx.msk [tilespmem:v24+s5+$0x0], $0xffff  }
0x188: {  	v25 =	vor.u32 v2, v18;
	[tilespmem:s14+$0x11100] =	vst v33;
	v29 =	vld.idx.msk [tilespmem:v29+s11+$0x0], $0xffff  }
0x189: {  	v54 =	vor.u32 v1, v21;
	v28 =	vld.idx.msk [tilespmem:v28+s5+$0x0], $0xffff;
	[tilespmem:s29+$0x4050] =	vst v34  }
0x18a: {  	v32 =	vld.idx.msk [tilespmem:v52+s11+$0x0], $0xffff;
	[tilespmem:s2+$0x4010] =	vst v26;
	v26 =	vor.u32 v5, v9  }
0x18b: {  	v55 =	vor.u32 v6, v23;
	v31 =	vld.idx.msk [tilespmem:v53+s11+$0x0], $0xffff;
	[tilespmem:s30+$0x11110] =	vst v27  }
0x18c: {  	v27 =	vld.idx.msk [tilespmem:v30+s5+$0x0], $0xffff;
	v30 =	vor.u32 v6, v11;
	[tilespmem:s10+$0x4010] =	vst v24  }
0x18d: {  	v56 =	vor.u32 v2, v17;
	v25 =	vld.idx.msk [tilespmem:v25+s5+$0x0], $0xffff;
	[tilespmem:s25+$0x11140] =	vst v29  }
0x18e: {  	v57 =	vor.u32 v1, v20;
	v24 =	vld.idx.msk [tilespmem:v54+s11+$0x0], $0xffff;
	[tilespmem:s26+$0x4050] =	vst v28  }
0x18f: {  	v28 =	vor.u32 v2, v14;
	v26 =	vld.idx.msk [tilespmem:v26+s11+$0x0], $0xffff;
	[tilespmem:s28+$0x11150] =	vst v32  }
0x190: {  	v58 =	vor.u32 v5, v10;
	v33 =	vld.idx.msk [tilespmem:v55+s5+$0x0], $0xffff;
	[tilespmem:s1+$0x11110] =	vst v31  }
0x191: {  	v59 =	vor.u32 v2, v15;
	v29 =	vld.idx.msk [tilespmem:v30+s5+$0x0], $0xffff;
	[tilespmem:s3+$0x4010] =	vst v27  }
0x192: {  	v30 =	vor.u32 v6, v22;
	v31 =	vld.idx.msk [tilespmem:v56+s5+$0x0], $0xffff;
	[tilespmem:s31+$0x4020] =	vst v25  }
0x193: {  	v27 =	vor.u32 v6, v13;
	v25 =	vld.idx.msk [tilespmem:v57+s11+$0x0], $0xffff;
	[tilespmem:s18+$0x11110] =	vst v24  }
0x194: {  	v60 =	vor.u32 v2, v16;
	v28 =	vld.idx.msk [tilespmem:v28+s11+$0x0], $0xffff;
	[tilespmem:s23+$0x11150] =	vst v26  }
0x195: {  	v24 =	vor.u32 v2, v19;
	v26 =	vld.idx.msk [tilespmem:v58+s5+$0x0], $0xffff;
	[tilespmem:s29+$0x4060] =	vst v33  }
0x196: {  	v61 =	vor.u32 v3, v18;
	v35 =	vld.idx.msk [tilespmem:v59+s5+$0x0], $0xffff;
	[tilespmem:s22+$0x4060] =	vst v29  }
0x197: {  	v62 =	vor.u32 v5, v12;
	v30 =	vld.idx.msk [tilespmem:v30+s5+$0x0], $0xffff;
	[tilespmem:s2+$0x4020] =	vst v31  }
0x198: {  	v31 =	vor.u32 v6, v9;
	v27 =	vld.idx.msk [tilespmem:v27+s11+$0x0], $0xffff;
	[tilespmem:s14+$0x11110] =	vst v25  }
0x199: {  	v63 =	vor.u32 v2, v21;
	v34 =	vld.idx.msk [tilespmem:v60+s11+$0x0], $0xffff;
	[tilespmem:s30+$0x11120] =	vst v28  }
0x19a: {  	v25 =	vor.u32 v6, v8;
	v24 =	vld.idx.msk [tilespmem:v24+s5+$0x0], $0xffff;
	[tilespmem:s24+$0x4050] =	vst v26  }
0x19b: {  	v37 =	vor.u32 v7, v23;
	v29 =	vld.idx.msk [tilespmem:v61+s5+$0x0], $0xffff;
	[tilespmem:s10+$0x4020] =	vst v35  }
0x19c: {  	v33 =	vor.u32 v3, v17;
	[tilespmem:s26+$0x4060] =	vst v30;
	v28 =	vld.idx.msk [tilespmem:v62+s11+$0x0], $0xffff  }
0x19d: {  	v26 =	vld.idx.msk [tilespmem:v31+s11+$0x0], $0xffff;
	[tilespmem:s28+$0x11160] =	vst v27;
	v31 =	vor.u32 v3, v14  }
0x19e: {  	s16 =	sshllo.u32 s20, $0x1;
	v30 =	vld.idx.msk [tilespmem:v63+s11+$0x0], $0xffff;
	[tilespmem:s1+$0x11120] =	vst v34  }
0x19f: {  	v23 =	vor.u32 v7, v17;
	v25 =	vld.idx.msk [tilespmem:v25+s11+$0x0], $0xffff;
	v27 =	vor.u32 v6, v10;
	[dreg:$0xa] =	wrdreg s16  }
0x1a0: {  	s15 =	simm.s32 $0x4;
	v32 =	vor.u32 v2, v20;
	v22 =	vor.u32 v7, v22;
	[tilespmem:s3+$0x4020] =	vst v24;
	v24 =	vld.idx.msk [tilespmem:v37+s5+$0x0], $0xffff  }
.LBB2_5:
0x1a1: {  	s16 =	sadd.s32 s15, s19;
	s15 =	sadd.s32 $0x4, s15;
	[tilespmem:s31+$0x4030] =	vst v29;
	v29 =	vld.idx.msk [tilespmem:v33+s5+$0x0], $0xffff;
	v33 =	vor.u32 v7, v11;
	v11 =	vmov v18  }
0x1a2: {  	v34 =	vor.u32 v7, v13;
	v13 =	vmov v21;
	s4 =	sadd.s32 $0x44, s16;
	s8 =	sadd.s32 $0x45, s16;
	s6 =	sadd.s32 $0x46, s16;
	v18 =	vld.idx.msk [tilespmem:v31+s11+$0x0], $0xffff;
	v31 =	vor.u32 v3, v15;
	[tilespmem:s25+$0x11150] =	vst v28  }
0x1a3: {  	p1 =	slt.u32 s15, $0x3C;
	v21 =	vmov s4;
	v28 =	vmov s8;
	v35 =	vmov s6;
	s4 =	sadd.s32 $0x47, s16;
	[tilespmem:s23+$0x11160] =	vst v26  }
0x1a4: {  	v21 =	vand.u32 $0xFFFFFFFC, v21;
	v26 =	vand.u32 $0xFFFFFFFD, v28;
	v28 =	vand.u32 $0xFFFFFFFE, v35;
	[tilespmem:s18+$0x11120] =	vst v30;
	v27 =	vld.idx.msk [tilespmem:v27+s5+$0x0], $0xffff  }
0x1a5: {  	v30 =	vmov s4;
	v35 =	vor.u32 v4, v11;
	v21 =	vbroadcast v21, $0x0;
	v32 =	vld.idx.msk [tilespmem:v32+s11+$0x0], $0xffff;
	[tilespmem:s21+$0x11160] =	vst v25  }
0x1a6: {  	v25 =	vbroadcast v26, $0x0;
	v26 =	vld.idx.msk [tilespmem:v22+s5+$0x0], $0xffff;
	[tilespmem:s29+$0x4070] =	vst v24;
	v24 =	vor.u32 v6, v12;
	v22 =	vmov v23;
	s29 =	smov.u32 s10  }
0x1a7: {  	v23 =	vbroadcast v28, $0x0;
	v28 =	vld.idx.msk [tilespmem:v34+s11+$0x0], $0xffff  }
0x1a8: {  	[tilespmem:s30+$0x11130] =	vst v18;
	v18 =	vld.idx.msk [tilespmem:v33+s5+$0x0], $0xffff  }
0x1a9: {  	v31 =	vld.idx.msk [tilespmem:v31+s5+$0x0], $0xffff  }
0x1aa: {  	v33 =	vld.idx.msk [tilespmem:v35+s5+$0x0], $0xffff;
	[tilespmem:s24+$0x4060] =	vst v27  }
0x1ab: {  	v24 =	vld.idx.msk [tilespmem:v24+s11+$0x0], $0xffff  }
0x1ac: {  	v27 =	vld.idx.msk [tilespmem:v21+s13+$0x0], $0xffff;
	[tilespmem:s26+$0x4070] =	vst v26;
	s26 =	smov.u32 s2  }
0x1ad: {  	v26 =	vor.u32 v7, v10;
	v10 =	vmov v19;
	v21 =	vld.idx.msk [tilespmem:v21+s12+$0x0], $0xffff  }
0x1ae: {  	v19 =	vld.idx.msk [tilespmem:v23+s12+$0x0], $0xffff;
	[tilespmem:s22+$0x4070] =	vst v18;
	s22 =	smov.u32 s31  }
0x1af: {  	v34 =	vld.idx.msk [tilespmem:v23+s13+$0x0], $0xffff;
	v23 =	vor.u32 v3, v16;
	[tilespmem:s28+$0x11170] =	vst v28;
	s28 =	smov.u32 s18  }
0x1b0: {  	v28 =	vld.idx.msk [tilespmem:v25+s13+$0x0], $0xffff;
	[tilespmem:s22+$0x4040] =	vst v33;
	v33 =	vor.u32 v3, v13  }
0x1b1: {  	v35 =	vor.u32 v7, v9;
	v9 =	vmov v16;
	v25 =	vld.idx.msk [tilespmem:v25+s12+$0x0], $0xffff;
	[tilespmem:s25+$0x11160] =	vst v24  }
0x1b2: {  	v24 =	vor.u32 v4, v14;
	[tilespmem:s29+$0x4030] =	vst v31;
	v26 =	vld.idx.msk [tilespmem:v26+s5+$0x0], $0xffff  }
0x1b3: {  	v18 =	vshll.u32 v21, $0x7;
	v21 =	vld.idx.msk [tilespmem:v30+s12+$0x0], $0xffff;
	[tilespmem:s26+$0x4030] =	vst v29;
	v29 =	vor.u32 v7, v8;
	v8 =	vmov v14  }
0x1b4: {  	v31 =	vor.u32 v0, v18;
	v36 =	vld.idx.msk [tilespmem:v23+s11+$0x0], $0xffff  }
0x1b5: {  	v37 =	vor.u32 v7, v12;
	v12 =	vmov v20;
	v33 =	vld.idx.msk [tilespmem:v33+s11+$0x0], $0xffff  }
0x1b6: {  	v20 =	vor.u32 v3, v10;
	v16 =	vshll.u32 v28, $0x7;
	v28 =	vld.idx.msk [tilespmem:v35+s11+$0x0], $0xffff  }
0x1b7: {  	v38 =	vor.u32 v4, v15;
	s0 =	sadd.s32 $0x400, s0;
	v25 =	vshll.u32 v25, $0x7;
	v35 =	vld.idx.msk [tilespmem:v24+s11+$0x0], $0xffff  }
0x1b8: {  	s7 =	sadd.s32 $0x200, s7;
	v14 =	vshll.u32 v27, $0x7;
	v27 =	vor.u32 v0, v25;
	v24 =	vshll.u32 v19, $0x7;
	v29 =	vld.idx.msk [tilespmem:v29+s11+$0x0], $0xffff;
	[tilespmem:s24+$0x4070] =	vst v26;
	s24 =	smov.u32 s3  }
0x1b9: {  	v23 =	vor.u32 v7, v25;
	v19 =	vshll.u32 v21, $0x7;
	v26 =	vld.idx.msk [tilespmem:v31+s5+$0x0], $0xffff;
	v31 =	vor.u32 v0, v14;
	[tilespmem:s14+$0x11120] =	vst v32  }
0x1ba: {  	v21 =	vshll.u32 v34, $0x7;
	v32 =	vor.u32 v5, v11;
	[tilespmem:s1+$0x11130] =	vst v36;
	v34 =	vld.idx.msk [tilespmem:v37+s11+$0x0], $0xffff  }
0x1bb: {  	v36 =	vor.u32 v0, v21;
	[tilespmem:s28+$0x11130] =	vst v33;
	v33 =	vld.idx.msk [tilespmem:v20+s5+$0x0], $0xffff  }
0x1bc: {  	s9 =	sadd.s32 $0x4, s9;
	s2 =	sand.u32 $0x3800, s0;
	s3 =	sadd.s32 $0xFFFFFE80, s7;
	v20 =	vor.u32 v0, v24;
	v37 =	vld.idx.msk [tilespmem:v38+s5+$0x0], $0xffff;
	[tilespmem:s23+$0x11170] =	vst v28  }
0x1bd: {  	s4 =	sand.u32 $0x200, s3;
	s3 =	sadd.s32 $0x11100, s2;
	v28 =	vor.u32 v4, v17;
	s23 =	smov.u32 s1;
	v27 =	vld.idx.msk [tilespmem:v27+s5+$0x0], $0xffff;
	[tilespmem:s30+$0x11140] =	vst v35  }
0x1be: {  	s31 =	sor.u32 s4, s3;
	v35 =	vor.u32 v0, v19;
	v30 =	vld.idx.msk [tilespmem:v30+s13+$0x0], $0xffff;
	[tilespmem:s21+$0x11170] =	vst v29;
	s21 =	smov.u32 s30  }
0x1bf: {  	p0 =	por !p0, !p0;
	v29 =	vor.u32 v4, v13;
	[tilespmem:s31+$0x4000] =	vst v26;
	v26 =	vld.idx.msk [tilespmem:v32+s5+$0x0], $0xffff  }
0x1c0: {  	s17 =	sadd.s32 $0x2, s17;
	s1 =	sadd.s32 $0xFFFFFF00, s7;
	v32 =	vor.u32 v3, v12;
	v31 =	vld.idx.msk [tilespmem:v31+s11+$0x0], $0xffff;
	[tilespmem:s25+$0x11170] =	vst v34;
	s25 =	smov.u32 s14  }
0x1c1: {  	s4 =	simm.s32 $0x1;
	s1 =	sand.u32 $0x280, s1;
	v34 =	vor.u32 v0, v16;
	v38 =	vld.idx.msk [tilespmem:v20+s5+$0x0], $0xffff  }
0x1c2: {  	v39 =	vor.u32 v1, v18;
	s4 =	simm.s32 @!p0 $0x0;
	s2 =	sor.u32 s1, s3;
	v28 =	vld.idx.msk [tilespmem:v28+s5+$0x0], $0xffff;
	[tilespmem:s29+$0x4040] =	vst v37  }
0x1c3: {  	s1 =	sshll.u32 s4, $0x9;
	[tilespmem:s2+$0x4000] =	vst v27;
	v27 =	vld.idx.msk [tilespmem:v35+s5+$0x0], $0xffff;
	v35 =	vor.u32 v5, v8  }
0x1c4: {  	s4 =	sadd.s32 $0xFFFFFF80, s7;
	s1 =	sadd.s32 s1, s0;
	v20 =	vshll.u32 v30, $0x7;
	v29 =	vld.idx.msk [tilespmem:v29+s11+$0x0], $0xffff;
	[tilespmem:s24+$0x4030] =	vst v33  }
0x1c5: {  	s30 =	sor.u32 $0x4400, s1;
	s1 =	sand.u32 $0x300, s4;
	v30 =	vor.u32 v0, v20;
	[tilespmem:s22+$0x4050] =	vst v26;
	v26 =	vor.u32 v4, v9;
	v32 =	vld.idx.msk [tilespmem:v32+s11+$0x0], $0xffff  }
0x1c6: {  	s10 =	sadd.s32 s1, s3;
	v33 =	vor.u32 v5, v15;
	[tilespmem:s30+$0x11100] =	vst v31;
	v31 =	vld.idx.msk [tilespmem:v34+s11+$0x0], $0xffff  }
0x1c7: {  	s4 =	sand.u32 $0x380, s7;
	s1 =	sand.u32 $0x7, s9;
	v37 =	vor.u32 v4, v10;
	v34 =	vld.idx.msk [tilespmem:v39+s5+$0x0], $0xffff;
	[tilespmem:s10+$0x4000] =	vst v38  }
0x1c8: {  	s3 =	sadd.s32 s4, s3;
	s1 =	sshll.u32 s1, $0x7;
	v38 =	vor.u32 v1, v25;
	v35 =	vld.idx.msk [tilespmem:v35+s11+$0x0], $0xffff;
	[tilespmem:s26+$0x4040] =	vst v28  }
0x1c9: {  	s4 =	sadd.s32 s0, s1;
	v28 =	vor.u32 v1, v14;
	v36 =	vld.idx.msk [tilespmem:v36+s11+$0x0], $0xffff;
	[tilespmem:s3+$0x4000] =	vst v27  }
0x1ca: {  	s1 =	sand.u32 $0x3, s17;
	s6 =	sadd.s32 $0x80, s4;
	v26 =	vld.idx.msk [tilespmem:v26+s11+$0x0], $0xffff;
	[tilespmem:s28+$0x11140] =	vst v29  }
0x1cb: {  	s8 =	sshll.u32 s1, $0x8;
	s1 =	sor.u32 $0x4400, s6;
	v27 =	vor.u32 v1, v24;
	v29 =	vor.u32 v1, v21;
	v33 =	vld.idx.msk [tilespmem:v33+s5+$0x0], $0xffff;
	[tilespmem:s25+$0x11130] =	vst v32  }
0x1cc: {  	s6 =	sadd.s32 s0, s8;
	[tilespmem:s1+$0x11100] =	vst v31;
	v31 =	vor.u32 v5, v17;
	v32 =	vld.idx.msk [tilespmem:v37+s5+$0x0], $0xffff  }
0x1cd: {  	s6 =	sadd.s32 $0x100, s6;
	v37 =	vor.u32 v5, v13;
	[tilespmem:s31+$0x4010] =	vst v34;
	v34 =	vld.idx.msk [tilespmem:v38+s5+$0x0], $0xffff  }
0x1ce: {  	s18 =	sor.u32 $0x4400, s6;
	v30 =	vld.idx.msk [tilespmem:v30+s11+$0x0], $0xffff;
	[tilespmem:s21+$0x11150] =	vst v35;
	v35 =	vor.u32 v4, v12  }
0x1cf: {  	v38 =	vor.u32 v1, v16;
	v28 =	vld.idx.msk [tilespmem:v28+s11+$0x0], $0xffff;
	[tilespmem:s18+$0x11100] =	vst v36  }
0x1d0: {  	v36 =	vor.u32 v1, v19;
	v27 =	vld.idx.msk [tilespmem:v27+s5+$0x0], $0xffff;
	[tilespmem:s23+$0x11140] =	vst v26  }
0x1d1: {  	v26 =	vor.u32 v2, v18;
	v31 =	vld.idx.msk [tilespmem:v31+s5+$0x0], $0xffff;
	[tilespmem:s29+$0x4050] =	vst v33  }
0x1d2: {  	s4 =	sadd.s32 $0x180, s4;
	v33 =	vld.idx.msk [tilespmem:v37+s11+$0x0], $0xffff;
	[tilespmem:s24+$0x4040] =	vst v32  }
0x1d3: {  	s14 =	sor.u32 $0x4400, s4;
	v32 =	vor.u32 v5, v9;
	[tilespmem:s2+$0x4010] =	vst v34;
	v34 =	vld.idx.msk [tilespmem:v35+s11+$0x0], $0xffff  }
0x1d4: {  	v35 =	vld.idx.msk [tilespmem:v38+s11+$0x0], $0xffff;
	[tilespmem:s14+$0x11100] =	vst v30;
	v30 =	vor.u32 v6, v15  }
0x1d5: {  	[tilespmem:s30+$0x11110] =	vst v28;
	v28 =	vld.idx.msk [tilespmem:v36+s5+$0x0], $0xffff;
	v36 =	vor.u32 v6, v11  }
0x1d6: {  	v37 =	vor.u32 v2, v25;
	v26 =	vld.idx.msk [tilespmem:v26+s5+$0x0], $0xffff;
	[tilespmem:s10+$0x4010] =	vst v27  }
0x1d7: {  	v27 =	vld.idx.msk [tilespmem:v29+s11+$0x0], $0xffff;
	v29 =	vor.u32 v1, v20;
	[tilespmem:s26+$0x4050] =	vst v31  }
0x1d8: {  	v31 =	vor.u32 v2, v14;
	v32 =	vld.idx.msk [tilespmem:v32+s11+$0x0], $0xffff;
	[tilespmem:s28+$0x11150] =	vst v33;
	v33 =	vor.u32 v5, v10  }
0x1d9: {  	v30 =	vld.idx.msk [tilespmem:v30+s5+$0x0], $0xffff;
	[tilespmem:s25+$0x11140] =	vst v34  }
0x1da: {  	[tilespmem:s1+$0x11110] =	vst v35;
	v34 =	vld.idx.msk [tilespmem:v36+s5+$0x0], $0xffff;
	v35 =	vor.u32 v6, v17;
	v17 =	vmov v25  }
0x1db: {  	v36 =	vor.u32 v2, v24;
	v25 =	vld.idx.msk [tilespmem:v37+s5+$0x0], $0xffff;
	[tilespmem:s3+$0x4010] =	vst v28  }
0x1dc: {  	v28 =	vor.u32 v6, v13;
	[tilespmem:s31+$0x4020] =	vst v26;
	v26 =	vld.idx.msk [tilespmem:v29+s11+$0x0], $0xffff  }
0x1dd: {  	v29 =	vld.idx.msk [tilespmem:v31+s11+$0x0], $0xffff;
	v31 =	vor.u32 v2, v16;
	[tilespmem:s18+$0x11110] =	vst v27  }
0x1de: {  	v37 =	vor.u32 v5, v12;
	v27 =	vor.u32 v2, v19;
	[tilespmem:s23+$0x11150] =	vst v32;
	v32 =	vld.idx.msk [tilespmem:v33+s5+$0x0], $0xffff  }
0x1df: {  	v33 =	vor.u32 v3, v18;
	v35 =	vld.idx.msk [tilespmem:v35+s5+$0x0], $0xffff;
	[tilespmem:s29+$0x4060] =	vst v30  }
0x1e0: {  	v30 =	vld.idx.msk [tilespmem:v36+s5+$0x0], $0xffff;
	[tilespmem:s22+$0x4060] =	vst v34  }
0x1e1: {  	[tilespmem:s2+$0x4020] =	vst v25;
	v25 =	vor.u32 v6, v9;
	v34 =	vld.idx.msk [tilespmem:v28+s11+$0x0], $0xffff  }
0x1e2: {  	v38 =	vor.u32 v2, v21;
	v36 =	vld.idx.msk [tilespmem:v31+s11+$0x0], $0xffff;
	[tilespmem:s14+$0x11110] =	vst v26  }
0x1e3: {  	[tilespmem:s30+$0x11120] =	vst v29;
	v39 =	vld.idx.msk [tilespmem:v27+s5+$0x0], $0xffff;
	v27 =	vor.u32 v6, v8  }
0x1e4: {  	v40 =	vor.u32 v7, v15;
	v15 =	vmov v24;
	v29 =	vld.idx.msk [tilespmem:v33+s5+$0x0], $0xffff;
	[tilespmem:s24+$0x4050] =	vst v32  }
.Ltmp1:
0x1e5: {  	v33 =	vor.u32 v3, v17;
	[tilespmem:s26+$0x4060] =	vst v35;
	v28 =	vld.idx.msk [tilespmem:v37+s11+$0x0], $0xffff;
	(pc) =	sbr.rel @p1 .LBB2_5-.Ltmp1, $4  }
0x1e6: {  	v31 =	vor.u32 v3, v14;
	[tilespmem:s10+$0x4020] =	vst v30;
	v26 =	vld.idx.msk [tilespmem:v25+s11+$0x0], $0xffff  }
0x1e7: {  	v30 =	vld.idx.msk [tilespmem:v38+s11+$0x0], $0xffff;
	[tilespmem:s28+$0x11160] =	vst v34  }
0x1e8: {  	[tilespmem:s1+$0x11120] =	vst v36;
	v25 =	vld.idx.msk [tilespmem:v27+s11+$0x0], $0xffff;
	v27 =	vor.u32 v6, v10  }
0x1e9: {  	v32 =	vor.u32 v2, v20;
	[tilespmem:s3+$0x4020] =	vst v39;
	v24 =	vld.idx.msk [tilespmem:v40+s5+$0x0], $0xffff  }
0x1ea: {  	v34 =	vor.u32 v3, v15;
	_ =	sdelay $0x3  }
0x1eb: {  	v32 =	vld.idx.msk [tilespmem:v32+s11+$0x0], $0xffff;
	[tilespmem:s18+$0x11120] =	vst v30  }
0x1ec: {  	v35 =	vor.u32 v3, v19;
	v30 =	vld.idx.msk [tilespmem:v34+s5+$0x0], $0xffff  }
0x1ed: {  	v33 =	vld.idx.msk [tilespmem:v33+s5+$0x0], $0xffff;
	v48 =	vor.u32 v3, v21  }
0x1ee: {  	v36 =	vor.u32 v3, v16;
	_ =	sdelay $0x1  }
0x1ef: {  	[tilespmem:s14+$0x11120] =	vst v32  }
0x1f0: {  	v32 =	vld.idx.msk [tilespmem:v35+s5+$0x0], $0xffff;
	[tilespmem:s10+$0x4030] =	vst v30  }
0x1f1: {  	v49 =	vor.u32 v3, v20;
	[tilespmem:s2+$0x4030] =	vst v33;
	v30 =	vld.idx.msk [tilespmem:v48+s11+$0x0], $0xffff  }
0x1f2: {  	v51 =	vor.u32 v4, v15;
	v50 =	vld.idx.msk [tilespmem:v36+s11+$0x0], $0xffff  }
0x1f3: {  	v52 =	vor.u32 v4, v17  }
0x1f4: {  	[tilespmem:s31+$0x4030] =	vst v29  }
0x1f5: {  	v31 =	vld.idx.msk [tilespmem:v31+s11+$0x0], $0xffff;
	[tilespmem:s3+$0x4030] =	vst v32  }
0x1f6: {  	v53 =	vor.u32 v4, v18;
	v35 =	vld.idx.msk [tilespmem:v49+s11+$0x0], $0xffff;
	[tilespmem:s18+$0x11130] =	vst v30  }
0x1f7: {  	v54 =	vor.u32 v4, v19;
	[tilespmem:s1+$0x11130] =	vst v50;
	v55 =	vld.idx.msk [tilespmem:v51+s5+$0x0], $0xffff  }
0x1f8: {  	v56 =	vor.u32 v4, v21;
	v57 =	vld.idx.msk [tilespmem:v52+s5+$0x0], $0xffff  }
0x1f9: {  	v58 =	vor.u32 v4, v16  }
0x1fa: {  	[tilespmem:s30+$0x11130] =	vst v31  }
0x1fb: {  	v32 =	vld.idx.msk [tilespmem:v53+s5+$0x0], $0xffff;
	[tilespmem:s14+$0x11130] =	vst v35  }
0x1fc: {  	v59 =	vor.u32 v4, v14;
	v35 =	vld.idx.msk [tilespmem:v54+s5+$0x0], $0xffff;
	[tilespmem:s10+$0x4040] =	vst v55  }
0x1fd: {  	v60 =	vor.u32 v4, v20;
	[tilespmem:s2+$0x4040] =	vst v57;
	v29 =	vld.idx.msk [tilespmem:v56+s11+$0x0], $0xffff  }
0x1fe: {  	v61 =	vor.u32 v5, v15;
	v31 =	vld.idx.msk [tilespmem:v58+s11+$0x0], $0xffff  }
0x1ff: {  	v62 =	vor.u32 v5, v17;
	[tilespmem:s25+$0x11150] =	vst v28  }
0x200: {  	[tilespmem:s31+$0x4040] =	vst v32  }
0x201: {  	v32 =	vld.idx.msk [tilespmem:v59+s11+$0x0], $0xffff;
	[tilespmem:s3+$0x4040] =	vst v35  }
0x202: {  	v63 =	vor.u32 v5, v18;
	v35 =	vld.idx.msk [tilespmem:v60+s11+$0x0], $0xffff;
	[tilespmem:s18+$0x11140] =	vst v29  }
0x203: {  	v37 =	vor.u32 v5, v19;
	[tilespmem:s1+$0x11140] =	vst v31;
	v29 =	vld.idx.msk [tilespmem:v61+s5+$0x0], $0xffff  }
0x204: {  	v38 =	vor.u32 v5, v21;
	[tilespmem:s23+$0x11160] =	vst v26;
	v31 =	vld.idx.msk [tilespmem:v62+s5+$0x0], $0xffff  }
0x205: {  	v39 =	vor.u32 v5, v16;
	[tilespmem:s21+$0x11160] =	vst v25  }
0x206: {  	v27 =	vld.idx.msk [tilespmem:v27+s5+$0x0], $0xffff;
	[tilespmem:s30+$0x11140] =	vst v32  }
0x207: {  	v11 =	vor.u32 v7, v11;
	v32 =	vld.idx.msk [tilespmem:v63+s5+$0x0], $0xffff;
	[tilespmem:s14+$0x11140] =	vst v35  }
0x208: {  	v40 =	vor.u32 v5, v14;
	v28 =	vld.idx.msk [tilespmem:v37+s5+$0x0], $0xffff;
	[tilespmem:s10+$0x4050] =	vst v29  }
0x209: {  	v41 =	vor.u32 v5, v20;
	[tilespmem:s2+$0x4050] =	vst v31;
	v29 =	vld.idx.msk [tilespmem:v38+s11+$0x0], $0xffff  }
0x20a: {  	v42 =	vor.u32 v6, v15;
	[tilespmem:s29+$0x4070] =	vst v24;
	v31 =	vld.idx.msk [tilespmem:v39+s11+$0x0], $0xffff  }
0x20b: {  	v43 =	vor.u32 v6, v17;
	v22 =	vld.idx.msk [tilespmem:v22+s5+$0x0], $0xffff;
	[tilespmem:s24+$0x4060] =	vst v27  }
0x20c: {  	v13 =	vor.u32 v7, v13;
	v11 =	vld.idx.msk [tilespmem:v11+s5+$0x0], $0xffff;
	[tilespmem:s31+$0x4050] =	vst v32  }
0x20d: {  	v46 =	vor.u32 v6, v12;
	v26 =	vld.idx.msk [tilespmem:v40+s11+$0x0], $0xffff;
	[tilespmem:s3+$0x4050] =	vst v28  }
0x20e: {  	v44 =	vor.u32 v6, v18;
	v25 =	vld.idx.msk [tilespmem:v41+s11+$0x0], $0xffff;
	[tilespmem:s18+$0x11150] =	vst v29  }
0x20f: {  	v45 =	vor.u32 v6, v19;
	[tilespmem:s1+$0x11150] =	vst v31;
	v29 =	vld.idx.msk [tilespmem:v42+s5+$0x0], $0xffff  }
0x210: {  	v47 =	vor.u32 v6, v21;
	[tilespmem:s26+$0x4070] =	vst v22;
	v17 =	vld.idx.msk [tilespmem:v43+s5+$0x0], $0xffff  }
0x211: {  	v13 =	vld.idx.msk [tilespmem:v13+s11+$0x0], $0xffff;
	[tilespmem:s22+$0x4070] =	vst v11;
	v48 =	vor.u32 v6, v16  }
0x212: {  	v9 =	vor.u32 v7, v9;
	v50 =	vld.idx.msk [tilespmem:v46+s11+$0x0], $0xffff;
	[tilespmem:s30+$0x11150] =	vst v26  }
0x213: {  	v10 =	vor.u32 v7, v10;
	v24 =	vld.idx.msk [tilespmem:v44+s5+$0x0], $0xffff;
	[tilespmem:s14+$0x11150] =	vst v25  }
0x214: {  	v49 =	vor.u32 v6, v14;
	v25 =	vld.idx.msk [tilespmem:v45+s5+$0x0], $0xffff;
	[tilespmem:s10+$0x4060] =	vst v29  }
0x215: {  	v51 =	vor.u32 v6, v20;
	[tilespmem:s2+$0x4060] =	vst v17;
	v26 =	vld.idx.msk [tilespmem:v47+s11+$0x0], $0xffff  }
0x216: {  	[tilespmem:s28+$0x11170] =	vst v13;
	v52 =	vor.u32 v7, v15;
	v17 =	vld.idx.msk [tilespmem:v48+s11+$0x0], $0xffff  }
0x217: {  	v9 =	vld.idx.msk [tilespmem:v9+s11+$0x0], $0xffff;
	[tilespmem:s25+$0x11160] =	vst v50  }
0x218: {  	v8 =	vor.u32 v7, v8;
	v10 =	vld.idx.msk [tilespmem:v10+s5+$0x0], $0xffff;
	[tilespmem:s31+$0x4060] =	vst v24  }
0x219: {  	v55 =	vor.u32 v7, v12;
	v22 =	vld.idx.msk [tilespmem:v49+s11+$0x0], $0xffff;
	[tilespmem:s3+$0x4060] =	vst v25  }
0x21a: {  	v53 =	vor.u32 v7, v18;
	v11 =	vld.idx.msk [tilespmem:v51+s11+$0x0], $0xffff;
	[tilespmem:s18+$0x11160] =	vst v26  }
0x21b: {  	v54 =	vor.u32 v7, v19;
	[tilespmem:s1+$0x11160] =	vst v17;
	v15 =	vld.idx.msk [tilespmem:v52+s5+$0x0], $0xffff  }
0x21c: {  	[tilespmem:s23+$0x11170] =	vst v9;
	v56 =	vor.u32 v7, v21;
	v57 =	vld.idx.msk [tilespmem:v23+s5+$0x0], $0xffff  }
0x21d: {  	v8 =	vld.idx.msk [tilespmem:v8+s11+$0x0], $0xffff;
	v58 =	vor.u32 v7, v16;
	[tilespmem:s24+$0x4070] =	vst v10  }
0x21e: {  	v12 =	vld.idx.msk [tilespmem:v55+s11+$0x0], $0xffff;
	[tilespmem:s30+$0x11160] =	vst v22  }
0x21f: {  	v18 =	vld.idx.msk [tilespmem:v53+s5+$0x0], $0xffff;
	[tilespmem:s14+$0x11160] =	vst v11  }
0x220: {  	v60 =	vor.u32 v7, v14;
	v59 =	vld.idx.msk [tilespmem:v54+s5+$0x0], $0xffff;
	[tilespmem:s10+$0x4070] =	vst v15  }
0x221: {  	v61 =	vor.u32 v7, v20;
	[tilespmem:s2+$0x4070] =	vst v57;
	v62 =	vld.idx.msk [tilespmem:v56+s11+$0x0], $0xffff  }
0x222: {  	[tilespmem:s21+$0x11170] =	vst v8;
	v63 =	vld.idx.msk [tilespmem:v58+s11+$0x0], $0xffff  }
0x223: {  	[tilespmem:s25+$0x11170] =	vst v12  }
0x224: {  	[tilespmem:s31+$0x4070] =	vst v18  }
0x225: {  	v11 =	vld.idx.msk [tilespmem:v60+s11+$0x0], $0xffff;
	[tilespmem:s3+$0x4070] =	vst v59  }
0x226: {  	s20 =	sadd.s32 $0x1, s20;
	v8 =	vld.idx.msk [tilespmem:v61+s11+$0x0], $0xffff;
	[tilespmem:s18+$0x11170] =	vst v62  }
0x227: {  	p0 =	sne.s32 s20, $0x31;
	s0 =	rddreg [dreg:$0xa];
	[tilespmem:s1+$0x11170] =	vst v63  }
.Ltmp2:
0x228: {  	s0 =	sshll.u32 s0, $0xE;
	s8 =	rddreg [dreg:$0x7];
	(pc) =	sbr.rel @p0 .LBB2_2-.Ltmp2, $4  }
0x229: {  	s0 =	sadd.s32 s0, s8  }
0x22a: {  	s4 =	rddreg [dreg:$0x3];
	[tilespmem:s30+$0x11170] =	vst v11;
	s0 =	sshrl.u32 s0, $0x3  }
0x22b: {  	s19 =	sadd.s32 $0x80, s19;
	s31 =	simm.s32 $0x15100;
	[tilespmem:s14+$0x11170] =	vst v8;
	s0 =	sadd.s32 s4, s0  }
0x22c: {  	[hbm4b:s0+s5] =	stream.linear.scatter [tilespmem:s31], [sflag:$0x2], $0x4000, $0x38;
	[tilespmem:$0x19100] =	vst v63  }
0x22d: {  	s0 =	simm.s32 $0x1  }
0x22e: {  	_ =	swait.ge [sflag:s0], $0x4000  }
0x22f: {  	[sflag:s0] =	ssyncset.done $0x0  }
0x230: {  	s1 =	simm.s32 $0x2;
	[sflag:s0] =	ssyncadd.s32 $0xFFFFC000  }
0x231: {  	_ =	swait.ge [sflag:s1], $0x4000  }
0x232: {  	s2 =	rddreg [dreg:$0x9]  }
0x233: {  	s31 =	rddreg [dreg:$0x8];
	s2 =	sadd.s32 $0x1, s2  }
0x234: {  	p0 =	sne.s32 s2, s31  }
.Ltmp3:
0x235: {  	_ = 	snop;
	(pc) =	sbr.rel @p0 .LBB2_1-.Ltmp3, $3  }
0x236: {  	_ =	sdelay $0x1  }
0x237: {  	[sflag:s1] =	ssyncset.done $0x0  }
0x238: {  	[sflag:s1] =	ssyncadd.s32 $0xFFFFC000  }
0x239: {  	_ =	sfence.sel $0x180000  }
0x23a: {  	[bflag:$0x0] =	sbarrier.arrive $0xFFFF  }
0x23b: {  	_ =	strace $0x90000047  }
0x23c: {  	s0 =	stileid.u32;
	[bflag:$0x2] =	sbarrier.arrive $0xFFFF  }
0x23d: {  	p0 =	sne.s32 s0, $0x0;
	s0 =	rddreg [dreg:$0x4]  }
0x23e: {  	s0 =	sadd.s32 @!p0 $0x100000, s0  }
0x23f: {  	[sflag:s0] =	ssyncadd.tile.s32 @!p0 $0x1;
	_ =	shalt  }
.Lfunc_end2:
_tile_overlayer_lowered:
.L_overlay_start_2:
0x240: {  	(tag) =	ssettag $0x2  }
0x241: {  	s0 =	rddreg [dreg:$0x0];
	s2 =	stileid.u32  }
0x242: {  	s1 =	rddreg [dreg:$0x1];
	p0 =	sne.s32 s2, $0x0  }
0x243: {  	s3 =	rddreg [dreg:$0x2];
	[bflag:$0x3] =	sbarrier.arrive $0xFFFF;
	s2 =	simm.s32 @!p0 $0x1C03  }
0x244: {  	[timem:s3], [sflag:s2] =	dma.local @!p0 [hbm:s0], s1  }
0x245: {  	s0 =	simm.s32 @!p0 $0x3  }
0x246: {  	_ =	swait.ge @!p0 [sflag:s0], s1  }
0x247: {  	s1 =	ssub.s32 @!p0 $0x0, s1;
	[sflag:s0] =	ssyncset.done @!p0 $0x0  }
0x248: {  	[sflag:s0] =	ssyncadd.s32 @!p0 s1  }
0x249: {  	[bflag:$0x3] =	sbarrier.arrive $0xFFFF  }
0x24a: {  	_ =	shalt  }

</sc_bundles>
